<compile_context>
chip_gen: v7x
topology: tpu7x:2x2x1
jax: 0.10.2.dev20260603
libtpu: 0.0.44.dev20260713+nightly
codegen_flags: <defaults>
</compile_context>

<pallas_src>
import functools

import jax
import jax.numpy as jnp
from jax import lax
from jax.experimental import pallas as pl
from jax.experimental.pallas import tpu as pltpu
from jax.experimental.pallas import tpu_sc as plsc

N_STEPS = 20
B = 1024
V = 100000
NCORE = 2
NSUB = 16
NW = NCORE * NSUB
LANES = 16
SW = 3136
R = 16
NP = SW // R
NH = 2
NBG = B // LANES


def _body(probs_hbm, bits_hbm, step_hbm, out_hbm, *refs):
    step_v, sh_v, bits_v = refs[:3]
    bufs = refs[3:3 + 2 * NH]
    sems = refs[3 + 2 * NH:]

    cid = lax.axis_index("c")
    sid = lax.axis_index("s")
    wid = sid * NCORE + cid
    v0 = jnp.minimum(wid * SW, V - SW)

    pltpu.sync_copy(step_hbm, step_v)
    pltpu.sync_copy(bits_hbm.at[pl.ds(v0, SW)], bits_v)

    def sh_xform(g, _):
        sh_v[pl.ds(g * LANES, LANES)] = 32 - step_v[pl.ds(g * LANES, LANES)]
        return 0

    lax.fori_loop(0, NBG, sh_xform, 0)

    def in_copy(p, buf, sem):
        pltpu.async_copy(
            probs_hbm.at[pl.ds(v0 + p * R, R), pl.ds(0, B)], buf, sem)

    def out_copy(p, buf, sem):
        pltpu.async_copy(
            buf, out_hbm.at[pl.ds(v0 + p * R, R), pl.ds(0, B)], sem)

    halves = [(bufs[2 * h], bufs[2 * h + 1], sems[2 * h], sems[2 * h + 1])
              for h in range(NH)]

    for h, (ibuf, obuf, isem, osem) in enumerate(halves):
        in_copy(h, ibuf, isem)

    def round_body(pp, _):
        for h, (ibuf, obuf, isem, osem) in enumerate(halves):
            p = pp * NH + h

            def half(ibuf=ibuf, obuf=obuf, isem=isem, osem=osem, p=p):
                pltpu.make_async_copy(
                    probs_hbm.at[pl.ds(0, R), pl.ds(0, B)],
                    ibuf, isem).wait()

                @pl.when(pp > 0)
                def _():
                    pltpu.make_async_copy(
                        obuf, out_hbm.at[pl.ds(0, R), pl.ds(0, B)],
                        osem).wait()

                mbvec = bits_v[pl.ds(p * R, R)]
                words = [jnp.broadcast_to(mbvec[r], (LANES,))
                         for r in range(R)]

                @plsc.parallel_loop(0, NBG, 1)
                def _(bg):
                    boff = bg * LANES
                    sh = sh_v[pl.ds(boff, LANES)]
                    for r in range(R):
                        t = words[r] << sh
                        pv = ibuf[r, pl.ds(boff, LANES)]
                        obuf[r, pl.ds(boff, LANES)] = jnp.where(
                            t < 0, pv, 0.0)

                out_copy(p, obuf, osem)

                @pl.when(pp < NP // NH - 1)
                def _():
                    in_copy(p + NH, ibuf, isem)

            half()
        return 0

    lax.fori_loop(0, NP // NH, round_body, 0)

    for h, (ibuf, obuf, isem, osem) in enumerate(halves):
        pltpu.make_async_copy(
            obuf, out_hbm.at[pl.ds(0, R), pl.ds(0, B)], osem).wait()


def kernel(probabilites, mask, step):
    bits = jnp.sum(
        jnp.where(mask != 0, 1, 0).astype(jnp.int32)
        << jnp.arange(N_STEPS, dtype=jnp.int32)[:, None],
        axis=0)
    probs_t = probabilites.T
    mesh = plsc.VectorSubcoreMesh(core_axis_name="c", subcore_axis_name="s")
    scratch = [
        pltpu.VMEM((B,), jnp.int32),
        pltpu.VMEM((B,), jnp.int32),
        pltpu.VMEM((SW,), jnp.int32),
    ]
    scratch += [pltpu.VMEM((R, B), jnp.float32)] * (2 * NH)
    scratch += [pltpu.SemaphoreType.DMA] * (2 * NH)
    f = pl.kernel(
        _body,
        mesh=mesh,
        out_type=jax.ShapeDtypeStruct((V, B), jnp.float32),
        scratch_types=scratch,
    )
    return f(probs_t, bits, step).T

# --- scband reference (transcript-rebuilt; emitter-appended) ---
"""Pipeline reference for scband-element-probability-masking-60490319397260 (READ-ONLY COPY).

The authoritative reference and input builder live on the scoring server;
editing this copy changes nothing except your own understanding.
"""

import jax, jax.numpy as jnp
import numpy as np

N_STEPS = 20
VOCAB = 100000
BATCH = 1024

def _build_mask():
    allowed = [list(range(0, 10)), list(range(10, 20))] + [[] for _ in range(N_STEPS - 2)]
    mask = np.zeros((N_STEPS, VOCAB), dtype=np.float32)
    for i, ids in enumerate(allowed):
        if ids:
            mask[i, ids] = 1.0
        else:
            mask[i, :] = 1.0
    return jnp.asarray(mask)

def setup_inputs(seed: int = 0) -> dict:
    key = jax.random.key(seed)
    k1, k2 = jax.random.split(key)
    probabilites = jax.random.uniform(k1, (BATCH, VOCAB), dtype=jnp.float32)
    # step is 1-indexed (first predicted element is 1), values in [1, N_STEPS]
    step = jax.random.randint(k2, (BATCH,), 1, N_STEPS + 1, dtype=jnp.int32)
    mask = _build_mask()
    return {"probabilites": probabilites, "mask": mask, "step": step}

def reference(probabilites, mask, step):
    # gather mask row for each batch element's step (step - 1 as row index)
    mask_at_step = jnp.take(mask, step - 1, axis=0).astype(bool)
    # masked_value == 0 -> masked positions become 0.0
    masked_values = jnp.zeros_like(probabilites)
    return jnp.where(mask_at_step, probabilites, masked_values)

if __name__ == "__main__":
    import jax
    _d = setup_inputs()
    print(jax.jit(kernel)(*tuple(_d.values())))

</pallas_src>

<mosaic_0001>
#map = affine_map<(d0, d1) -> (0, 0)>
#map1 = affine_map<(d0, d1) -> (0)>
module attributes {stable_mosaic.version = 14 : i64} {
  func.func @_body(%arg0: i32, %arg1: i32, %arg2: memref<100000x1024xf32, #tpu.memory_space<hbm>>, %arg3: memref<100000xi32, #tpu.memory_space<hbm>>, %arg4: memref<1024xi32, #tpu.memory_space<hbm>>, %arg5: memref<100000x1024xf32, #tpu.memory_space<hbm>>, %arg6: memref<1024xi32, #tpu.memory_space<vmem>>, %arg7: memref<1024xi32, #tpu.memory_space<vmem>>, %arg8: memref<3136xi32, #tpu.memory_space<vmem>>, %arg9: memref<16x1024xf32, #tpu.memory_space<vmem>>, %arg10: memref<16x1024xf32, #tpu.memory_space<vmem>>, %arg11: memref<16x1024xf32, #tpu.memory_space<vmem>>, %arg12: memref<16x1024xf32, #tpu.memory_space<vmem>>, %arg13: memref<!tpu.dma_semaphore, #tpu.memory_space<semaphore_mem>>, %arg14: memref<!tpu.dma_semaphore, #tpu.memory_space<semaphore_mem>>, %arg15: memref<!tpu.dma_semaphore, #tpu.memory_space<semaphore_mem>>, %arg16: memref<!tpu.dma_semaphore, #tpu.memory_space<semaphore_mem>>) attributes {dimension_semantics = [#tpu.dimension_semantics<core_parallel>, #tpu.dimension_semantics<subcore_parallel>], iteration_bounds = array<i64: 2, 16>, scalar_prefetch = 0 : i64, scratch_operands = 11 : i64, tpu.core_type = #tpu.core_type<sc_vector_subcore>, window_params = [{transform_indices = #map}, {transform_indices = #map1}, {transform_indices = #map1}, {transform_indices = #map}]} {
    %mul3A = arith.constant 2 : i32
    %mul3A_0 = arith.muli %arg1, %mul3A : i32
    %add3A = arith.addi %mul3A_0, %arg0 : i32
    %mul3A_1 = arith.constant 3136 : i32
    %mul3A_2 = arith.muli %add3A, %mul3A_1 : i32
    %min3A = arith.constant 96864 : i32
    %min3A_3 = arith.minsi %mul3A_2, %min3A : i32
    "tpu.region"() ({
      %run_scoped3A = tpu.sem_alloc : memref<!tpu.dma_semaphore, #tpu.memory_space<semaphore_mem>>
      tpu.enqueue_dma source(%arg4 : memref<1024xi32, #tpu.memory_space<hbm>>) target(%arg6 : memref<1024xi32, #tpu.memory_space<vmem>>) target_semaphore(%run_scoped3A : memref<!tpu.dma_semaphore, #tpu.memory_space<semaphore_mem>>)
      tpu.wait_dma2 semaphore(%run_scoped3A : memref<!tpu.dma_semaphore, #tpu.memory_space<semaphore_mem>>) src(%arg4 : memref<1024xi32, #tpu.memory_space<hbm>>) dst(%arg6 : memref<1024xi32, #tpu.memory_space<vmem>>)
      tpu.yield
    }) : () -> ()
    "tpu.region"() ({
      %run_scoped3A = tpu.sem_alloc : memref<!tpu.dma_semaphore, #tpu.memory_space<semaphore_mem>>
      %dma_start3A_39 = tpu.memref_slice %arg3[%min3A_3] : memref<100000xi32, #tpu.memory_space<hbm>> -> memref<3136xi32, #tpu.memory_space<hbm>>
      %dma_start3A_40 = tpu.memref_slice %arg3[%min3A_3] : memref<100000xi32, #tpu.memory_space<hbm>> -> memref<3136xi32, #tpu.memory_space<hbm>>
      tpu.enqueue_dma source(%dma_start3A_40 : memref<3136xi32, #tpu.memory_space<hbm>>) target(%arg8 : memref<3136xi32, #tpu.memory_space<vmem>>) target_semaphore(%run_scoped3A : memref<!tpu.dma_semaphore, #tpu.memory_space<semaphore_mem>>)
      %dma_wait3A_41 = tpu.memref_slice %arg3[%min3A_3] : memref<100000xi32, #tpu.memory_space<hbm>> -> memref<3136xi32, #tpu.memory_space<hbm>>
      %dma_wait3A_42 = tpu.memref_slice %arg3[%min3A_3] : memref<100000xi32, #tpu.memory_space<hbm>> -> memref<3136xi32, #tpu.memory_space<hbm>>
      tpu.wait_dma2 semaphore(%run_scoped3A : memref<!tpu.dma_semaphore, #tpu.memory_space<semaphore_mem>>) src(%dma_wait3A_42 : memref<3136xi32, #tpu.memory_space<hbm>>) dst(%arg8 : memref<3136xi32, #tpu.memory_space<vmem>>)
      tpu.yield
    }) : () -> ()
    %scan3A = arith.constant 0 : i32
    %scan3A_4 = arith.constant 0 : i32
    %scan3A_5 = arith.constant 64 : i32
    %scan3A_6 = arith.addi %scan3A_4, %scan3A_5 : i32
    %scan3A_7 = arith.constant 1 : i32
    %scan3A_8 = scf.for %scan3A_39 = %scan3A_4 to %scan3A_6 step %scan3A_7 iter_args(%scan3A_40 = %scan3A) -> (i32)  : i32 {
      %mul3A_41 = arith.constant 16 : i32
      %mul3A_42 = arith.muli %scan3A_39, %mul3A_41 : i32
      %get3A = arith.index_cast %mul3A_42 : i32 to index
      %get3A_43 = tpu.vector_load %arg6[%get3A] {strides = array<i32>} : memref<1024xi32, #tpu.memory_space<vmem>>, vector<16xi32>,
      %get3A_44 = vector.shape_cast %get3A_43 : vector<16xi32> to vector<16xi32>
      %sub3A = arith.constant 32 : i32
      %sub3A_45 = vector.broadcast %sub3A : i32 to vector<16xi32>
      %sub3A_46 = arith.subi %sub3A_45, %get3A_44 : vector<16xi32>
      %mul3A_47 = arith.constant 16 : i32
      %mul3A_48 = arith.muli %scan3A_39, %mul3A_47 : i32
      %swap3A = arith.index_cast %mul3A_48 : i32 to index
      %swap3A_49 = tpu.vector_load %arg7[%swap3A] {strides = array<i32>} : memref<1024xi32, #tpu.memory_space<vmem>>, vector<16xi32>,
      %swap3A_50 = vector.shape_cast %swap3A_49 : vector<16xi32> to vector<16xi32>
      %swap3A_51 = vector.shape_cast %sub3A_46 : vector<16xi32> to vector<16xi32>
      tpu.vector_store %arg7[%swap3A], %swap3A_51 {strides = array<i32>} : memref<1024xi32, #tpu.memory_space<vmem>>, vector<16xi32>,
      %scan3A_52 = arith.constant 0 : i32
      scf.yield %scan3A_52 : i32
    }
    %scan3A_9 = arith.constant 64 : i32
    %add3A_10 = arith.constant 0 : i32
    %add3A_11 = arith.addi %min3A_3, %add3A_10 : i32
    %dma_start3A = arith.constant 0 : i32
    %dma_start3A_12 = tpu.memref_slice %arg2[%add3A_11, %dma_start3A] : memref<100000x1024xf32, #tpu.memory_space<hbm>> -> memref<16x1024xf32, #tpu.memory_space<hbm>>
    %dma_start3A_13 = arith.constant 0 : i32
    %dma_start3A_14 = tpu.memref_slice %arg2[%add3A_11, %dma_start3A_13] : memref<100000x1024xf32, #tpu.memory_space<hbm>> -> memref<16x1024xf32, #tpu.memory_space<hbm>>
    tpu.enqueue_dma source(%dma_start3A_14 : memref<16x1024xf32, #tpu.memory_space<hbm>>) target(%arg9 : memref<16x1024xf32, #tpu.memory_space<vmem>>) target_semaphore(%arg13 : memref<!tpu.dma_semaphore, #tpu.memory_space<semaphore_mem>>)
    %add3A_15 = arith.constant 16 : i32
    %add3A_16 = arith.addi %min3A_3, %add3A_15 : i32
    %dma_start3A_17 = arith.constant 0 : i32
    %dma_start3A_18 = tpu.memref_slice %arg2[%add3A_16, %dma_start3A_17] : memref<100000x1024xf32, #tpu.memory_space<hbm>> -> memref<16x1024xf32, #tpu.memory_space<hbm>>
    %dma_start3A_19 = arith.constant 0 : i32
    %dma_start3A_20 = tpu.memref_slice %arg2[%add3A_16, %dma_start3A_19] : memref<100000x1024xf32, #tpu.memory_space<hbm>> -> memref<16x1024xf32, #tpu.memory_space<hbm>>
    tpu.enqueue_dma source(%dma_start3A_20 : memref<16x1024xf32, #tpu.memory_space<hbm>>) target(%arg11 : memref<16x1024xf32, #tpu.memory_space<vmem>>) target_semaphore(%arg15 : memref<!tpu.dma_semaphore, #tpu.memory_space<semaphore_mem>>)
    %scan3A_21 = arith.constant 0 : i32
    %scan3A_22 = arith.constant 0 : i32
    %scan3A_23 = arith.constant 98 : i32
    %scan3A_24 = arith.addi %scan3A_22, %scan3A_23 : i32
    %scan3A_25 = arith.constant 1 : i32
    %scan3A_26 = scf.for %scan3A_39 = %scan3A_22 to %scan3A_24 step %scan3A_25 iter_args(%scan3A_40 = %scan3A_21) -> (i32)  : i32 {
      %mul3A_41 = arith.constant 2 : i32
      %mul3A_42 = arith.muli %scan3A_39, %mul3A_41 : i32
      %add3A_43 = arith.constant 0 : i32
      %add3A_44 = arith.addi %mul3A_42, %add3A_43 : i32
      %dma_wait3A_45 = arith.constant 0 : i32
      %dma_wait3A_46 = arith.constant 0 : i32
      %dma_wait3A_47 = tpu.memref_slice %arg2[%dma_wait3A_45, %dma_wait3A_46] : memref<100000x1024xf32, #tpu.memory_space<hbm>> -> memref<16x1024xf32, #tpu.memory_space<hbm>>
      %dma_wait3A_48 = arith.constant 0 : i32
      %dma_wait3A_49 = arith.constant 0 : i32
      %dma_wait3A_50 = tpu.memref_slice %arg2[%dma_wait3A_48, %dma_wait3A_49] : memref<100000x1024xf32, #tpu.memory_space<hbm>> -> memref<16x1024xf32, #tpu.memory_space<hbm>>
      tpu.wait_dma2 semaphore(%arg13 : memref<!tpu.dma_semaphore, #tpu.memory_space<semaphore_mem>>) src(%dma_wait3A_50 : memref<16x1024xf32, #tpu.memory_space<hbm>>) dst(%arg9 : memref<16x1024xf32, #tpu.memory_space<vmem>>)
      %gt3A = arith.constant 0 : i32
      %gt3A_51 = arith.cmpi sgt, %scan3A_39, %gt3A : i32
      %convert_element_type3A = arith.extui %gt3A_51 : i1 to i32
      %cond3A = arith.constant 0 : i32
      %cond3A_52 = arith.cmpi ne, %convert_element_type3A, %cond3A : i32
      scf.if %cond3A_52 {
        %dma_wait3A_199 = arith.constant 0 : i32
        %dma_wait3A_200 = arith.constant 0 : i32
        %dma_wait3A_201 = tpu.memref_slice %arg5[%dma_wait3A_199, %dma_wait3A_200] : memref<100000x1024xf32, #tpu.memory_space<hbm>> -> memref<16x1024xf32, #tpu.memory_space<hbm>>
        %dma_wait3A_202 = arith.constant 0 : i32
        %dma_wait3A_203 = arith.constant 0 : i32
        %dma_wait3A_204 = tpu.memref_slice %arg5[%dma_wait3A_202, %dma_wait3A_203] : memref<100000x1024xf32, #tpu.memory_space<hbm>> -> memref<16x1024xf32, #tpu.memory_space<hbm>>
        tpu.wait_dma2 semaphore(%arg14 : memref<!tpu.dma_semaphore, #tpu.memory_space<semaphore_mem>>) src(%arg10 : memref<16x1024xf32, #tpu.memory_space<vmem>>) dst(%dma_wait3A_204 : memref<16x1024xf32, #tpu.memory_space<hbm>>)
      } else {
      }
      %mul3A_53 = arith.constant 16 : i32
      %mul3A_54 = arith.muli %add3A_44, %mul3A_53 : i32
      %get3A = arith.index_cast %mul3A_54 : i32 to index
      %get3A_55 = tpu.vector_load %arg8[%get3A] {strides = array<i32>} : memref<3136xi32, #tpu.memory_space<vmem>>, vector<16xi32>,
      %get3A_56 = vector.shape_cast %get3A_55 : vector<16xi32> to vector<16xi32>
      %slice3A = vector.extract_strided_slice %get3A_56 {offsets = [0], sizes = [1], strides = [1]} : vector<16xi32> to vector<1xi32>
      %squeeze3A = vector.extract %slice3A[0] : i32 from vector<1xi32>
      %broadcast_in_dim3A = vector.broadcast %squeeze3A : i32 to vector<16xi32>
      %slice3A_57 = vector.extract_strided_slice %get3A_56 {offsets = [1], sizes = [1], strides = [1]} : vector<16xi32> to vector<1xi32>
      %squeeze3A_58 = vector.extract %slice3A_57[0] : i32 from vector<1xi32>
      %broadcast_in_dim3A_59 = vector.broadcast %squeeze3A_58 : i32 to vector<16xi32>
      %slice3A_60 = vector.extract_strided_slice %get3A_56 {offsets = [2], sizes = [1], strides = [1]} : vector<16xi32> to vector<1xi32>
      %squeeze3A_61 = vector.extract %slice3A_60[0] : i32 from vector<1xi32>
      %broadcast_in_dim3A_62 = vector.broadcast %squeeze3A_61 : i32 to vector<16xi32>
      %slice3A_63 = vector.extract_strided_slice %get3A_56 {offsets = [3], sizes = [1], strides = [1]} : vector<16xi32> to vector<1xi32>
      %squeeze3A_64 = vector.extract %slice3A_63[0] : i32 from vector<1xi32>
      %broadcast_in_dim3A_65 = vector.broadcast %squeeze3A_64 : i32 to vector<16xi32>
      %slice3A_66 = vector.extract_strided_slice %get3A_56 {offsets = [4], sizes = [1], strides = [1]} : vector<16xi32> to vector<1xi32>
      %squeeze3A_67 = vector.extract %slice3A_66[0] : i32 from vector<1xi32>
      %broadcast_in_dim3A_68 = vector.broadcast %squeeze3A_67 : i32 to vector<16xi32>
      %slice3A_69 = vector.extract_strided_slice %get3A_56 {offsets = [5], sizes = [1], strides = [1]} : vector<16xi32> to vector<1xi32>
      %squeeze3A_70 = vector.extract %slice3A_69[0] : i32 from vector<1xi32>
      %broadcast_in_dim3A_71 = vector.broadcast %squeeze3A_70 : i32 to vector<16xi32>
      %slice3A_72 = vector.extract_strided_slice %get3A_56 {offsets = [6], sizes = [1], strides = [1]} : vector<16xi32> to vector<1xi32>
      %squeeze3A_73 = vector.extract %slice3A_72[0] : i32 from vector<1xi32>
      %broadcast_in_dim3A_74 = vector.broadcast %squeeze3A_73 : i32 to vector<16xi32>
      %slice3A_75 = vector.extract_strided_slice %get3A_56 {offsets = [7], sizes = [1], strides = [1]} : vector<16xi32> to vector<1xi32>
      %squeeze3A_76 = vector.extract %slice3A_75[0] : i32 from vector<1xi32>
      %broadcast_in_dim3A_77 = vector.broadcast %squeeze3A_76 : i32 to vector<16xi32>
      %slice3A_78 = vector.extract_strided_slice %get3A_56 {offsets = [8], sizes = [1], strides = [1]} : vector<16xi32> to vector<1xi32>
      %squeeze3A_79 = vector.extract %slice3A_78[0] : i32 from vector<1xi32>
      %broadcast_in_dim3A_80 = vector.broadcast %squeeze3A_79 : i32 to vector<16xi32>
      %slice3A_81 = vector.extract_strided_slice %get3A_56 {offsets = [9], sizes = [1], strides = [1]} : vector<16xi32> to vector<1xi32>
      %squeeze3A_82 = vector.extract %slice3A_81[0] : i32 from vector<1xi32>
      %broadcast_in_dim3A_83 = vector.broadcast %squeeze3A_82 : i32 to vector<16xi32>
      %slice3A_84 = vector.extract_strided_slice %get3A_56 {offsets = [10], sizes = [1], strides = [1]} : vector<16xi32> to vector<1xi32>
      %squeeze3A_85 = vector.extract %slice3A_84[0] : i32 from vector<1xi32>
      %broadcast_in_dim3A_86 = vector.broadcast %squeeze3A_85 : i32 to vector<16xi32>
      %slice3A_87 = vector.extract_strided_slice %get3A_56 {offsets = [11], sizes = [1], strides = [1]} : vector<16xi32> to vector<1xi32>
      %squeeze3A_88 = vector.extract %slice3A_87[0] : i32 from vector<1xi32>
      %broadcast_in_dim3A_89 = vector.broadcast %squeeze3A_88 : i32 to vector<16xi32>
      %slice3A_90 = vector.extract_strided_slice %get3A_56 {offsets = [12], sizes = [1], strides = [1]} : vector<16xi32> to vector<1xi32>
      %squeeze3A_91 = vector.extract %slice3A_90[0] : i32 from vector<1xi32>
      %broadcast_in_dim3A_92 = vector.broadcast %squeeze3A_91 : i32 to vector<16xi32>
      %slice3A_93 = vector.extract_strided_slice %get3A_56 {offsets = [13], sizes = [1], strides = [1]} : vector<16xi32> to vector<1xi32>
      %squeeze3A_94 = vector.extract %slice3A_93[0] : i32 from vector<1xi32>
      %broadcast_in_dim3A_95 = vector.broadcast %squeeze3A_94 : i32 to vector<16xi32>
      %slice3A_96 = vector.extract_strided_slice %get3A_56 {offsets = [14], sizes = [1], strides = [1]} : vector<16xi32> to vector<1xi32>
      %squeeze3A_97 = vector.extract %slice3A_96[0] : i32 from vector<1xi32>
      %broadcast_in_dim3A_98 = vector.broadcast %squeeze3A_97 : i32 to vector<16xi32>
      %slice3A_99 = vector.extract_strided_slice %get3A_56 {offsets = [15], sizes = [1], strides = [1]} : vector<16xi32> to vector<1xi32>
      %squeeze3A_100 = vector.extract %slice3A_99[0] : i32 from vector<1xi32>
      %broadcast_in_dim3A_101 = vector.broadcast %squeeze3A_100 : i32 to vector<16xi32>
      %parallel_loop3A = arith.constant 0 : i32
      %parallel_loop3A_102 = arith.constant 64 : i32
      %parallel_loop3A_103 = arith.constant 1 : i32
      scf.for %parallel_loop3A_199 = %parallel_loop3A to %parallel_loop3A_102 step %parallel_loop3A_103  : i32 {
        %parallel_loop3A_200 = arith.constant 16 : i32
        %parallel_loop3A_201 = arith.muli %parallel_loop3A_199, %parallel_loop3A_200 : i32
        %parallel_loop3A_202 = arith.index_cast %parallel_loop3A_201 : i32 to index
        %parallel_loop3A_203 = tpu.vector_load %arg7[%parallel_loop3A_202] {strides = array<i32>} : memref<1024xi32, #tpu.memory_space<vmem>>, vector<16xi32>,
        %parallel_loop3A_204 = vector.shape_cast %parallel_loop3A_203 : vector<16xi32> to vector<16xi32>
        %parallel_loop3A_205 = arith.shli %broadcast_in_dim3A, %parallel_loop3A_204 : vector<16xi32>
        %parallel_loop3A_206 = arith.constant 0 : i32
        %parallel_loop3A_207 = arith.index_cast %parallel_loop3A_206 : i32 to index
        %parallel_loop3A_208 = arith.index_cast %parallel_loop3A_201 : i32 to index
        %parallel_loop3A_209 = tpu.vector_load %arg9[%parallel_loop3A_207, %parallel_loop3A_208] {strides = array<i32>} : memref<16x1024xf32, #tpu.memory_space<vmem>>, vector<1x16xf32>,
        %parallel_loop3A_210 = vector.shape_cast %parallel_loop3A_209 : vector<1x16xf32> to vector<16xf32>
        %parallel_loop3A_211 = arith.constant 0 : i32
        %parallel_loop3A_212 = vector.broadcast %parallel_loop3A_211 : i32 to vector<16xi32>
        %parallel_loop3A_213 = arith.cmpi slt, %parallel_loop3A_205, %parallel_loop3A_212 : vector<16xi32>
        %parallel_loop3A_214 = arith.constant 0.000000e+00 : f32
        %parallel_loop3A_215 = vector.broadcast %parallel_loop3A_214 : f32 to vector<16xf32>
        %parallel_loop3A_216 = arith.select %parallel_loop3A_213, %parallel_loop3A_210, %parallel_loop3A_215 : vector<16xi1>, vector<16xf32>
        %parallel_loop3A_217 = arith.constant 0 : i32
        %parallel_loop3A_218 = arith.index_cast %parallel_loop3A_217 : i32 to index
        %parallel_loop3A_219 = arith.index_cast %parallel_loop3A_201 : i32 to index
        %parallel_loop3A_220 = tpu.vector_load %arg10[%parallel_loop3A_218, %parallel_loop3A_219] {strides = array<i32>} : memref<16x1024xf32, #tpu.memory_space<vmem>>, vector<1x16xf32>,
        %parallel_loop3A_221 = vector.shape_cast %parallel_loop3A_220 : vector<1x16xf32> to vector<16xf32>
        %parallel_loop3A_222 = vector.shape_cast %parallel_loop3A_216 : vector<16xf32> to vector<1x16xf32>
        tpu.vector_store %arg10[%parallel_loop3A_218, %parallel_loop3A_219], %parallel_loop3A_222 {strides = array<i32>} : memref<16x1024xf32, #tpu.memory_space<vmem>>, vector<1x16xf32>,
        %parallel_loop3A_223 = arith.shli %broadcast_in_dim3A_59, %parallel_loop3A_204 : vector<16xi32>
        %parallel_loop3A_224 = arith.constant 1 : i32
        %parallel_loop3A_225 = arith.index_cast %parallel_loop3A_224 : i32 to index
        %parallel_loop3A_226 = arith.index_cast %parallel_loop3A_201 : i32 to index
        %parallel_loop3A_227 = tpu.vector_load %arg9[%parallel_loop3A_225, %parallel_loop3A_226] {strides = array<i32>} : memref<16x1024xf32, #tpu.memory_space<vmem>>, vector<1x16xf32>,
        %parallel_loop3A_228 = vector.shape_cast %parallel_loop3A_227 : vector<1x16xf32> to vector<16xf32>
        %parallel_loop3A_229 = arith.constant 0 : i32
        %parallel_loop3A_230 = vector.broadcast %parallel_loop3A_229 : i32 to vector<16xi32>
        %parallel_loop3A_231 = arith.cmpi slt, %parallel_loop3A_223, %parallel_loop3A_230 : vector<16xi32>
        %parallel_loop3A_232 = arith.constant 0.000000e+00 : f32
        %parallel_loop3A_233 = vector.broadcast %parallel_loop3A_232 : f32 to vector<16xf32>
        %parallel_loop3A_234 = arith.select %parallel_loop3A_231, %parallel_loop3A_228, %parallel_loop3A_233 : vector<16xi1>, vector<16xf32>
        %parallel_loop3A_235 = arith.constant 1 : i32
        %parallel_loop3A_236 = arith.index_cast %parallel_loop3A_235 : i32 to index
        %parallel_loop3A_237 = arith.index_cast %parallel_loop3A_201 : i32 to index
        %parallel_loop3A_238 = tpu.vector_load %arg10[%parallel_loop3A_236, %parallel_loop3A_237] {strides = array<i32>} : memref<16x1024xf32, #tpu.memory_space<vmem>>, vector<1x16xf32>,
        %parallel_loop3A_239 = vector.shape_cast %parallel_loop3A_238 : vector<1x16xf32> to vector<16xf32>
        %parallel_loop3A_240 = vector.shape_cast %parallel_loop3A_234 : vector<16xf32> to vector<1x16xf32>
        tpu.vector_store %arg10[%parallel_loop3A_236, %parallel_loop3A_237], %parallel_loop3A_240 {strides = array<i32>} : memref<16x1024xf32, #tpu.memory_space<vmem>>, vector<1x16xf32>,
        %parallel_loop3A_241 = arith.shli %broadcast_in_dim3A_62, %parallel_loop3A_204 : vector<16xi32>
        %parallel_loop3A_242 = arith.constant 2 : i32
        %parallel_loop3A_243 = arith.index_cast %parallel_loop3A_242 : i32 to index
        %parallel_loop3A_244 = arith.index_cast %parallel_loop3A_201 : i32 to index
        %parallel_loop3A_245 = tpu.vector_load %arg9[%parallel_loop3A_243, %parallel_loop3A_244] {strides = array<i32>} : memref<16x1024xf32, #tpu.memory_space<vmem>>, vector<1x16xf32>,
        %parallel_loop3A_246 = vector.shape_cast %parallel_loop3A_245 : vector<1x16xf32> to vector<16xf32>
        %parallel_loop3A_247 = arith.constant 0 : i32
        %parallel_loop3A_248 = vector.broadcast %parallel_loop3A_247 : i32 to vector<16xi32>
        %parallel_loop3A_249 = arith.cmpi slt, %parallel_loop3A_241, %parallel_loop3A_248 : vector<16xi32>
        %parallel_loop3A_250 = arith.constant 0.000000e+00 : f32
        %parallel_loop3A_251 = vector.broadcast %parallel_loop3A_250 : f32 to vector<16xf32>
        %parallel_loop3A_252 = arith.select %parallel_loop3A_249, %parallel_loop3A_246, %parallel_loop3A_251 : vector<16xi1>, vector<16xf32>
        %parallel_loop3A_253 = arith.constant 2 : i32
        %parallel_loop3A_254 = arith.index_cast %parallel_loop3A_253 : i32 to index
        %parallel_loop3A_255 = arith.index_cast %parallel_loop3A_201 : i32 to index
        %parallel_loop3A_256 = tpu.vector_load %arg10[%parallel_loop3A_254, %parallel_loop3A_255] {strides = array<i32>} : memref<16x1024xf32, #tpu.memory_space<vmem>>, vector<1x16xf32>,
        %parallel_loop3A_257 = vector.shape_cast %parallel_loop3A_256 : vector<1x16xf32> to vector<16xf32>
        %parallel_loop3A_258 = vector.shape_cast %parallel_loop3A_252 : vector<16xf32> to vector<1x16xf32>
        tpu.vector_store %arg10[%parallel_loop3A_254, %parallel_loop3A_255], %parallel_loop3A_258 {strides = array<i32>} : memref<16x1024xf32, #tpu.memory_space<vmem>>, vector<1x16xf32>,
        %parallel_loop3A_259 = arith.shli %broadcast_in_dim3A_65, %parallel_loop3A_204 : vector<16xi32>
        %parallel_loop3A_260 = arith.constant 3 : i32
        %parallel_loop3A_261 = arith.index_cast %parallel_loop3A_260 : i32 to index
        %parallel_loop3A_262 = arith.index_cast %parallel_loop3A_201 : i32 to index
        %parallel_loop3A_263 = tpu.vector_load %arg9[%parallel_loop3A_261, %parallel_loop3A_262] {strides = array<i32>} : memref<16x1024xf32, #tpu.memory_space<vmem>>, vector<1x16xf32>,
        %parallel_loop3A_264 = vector.shape_cast %parallel_loop3A_263 : vector<1x16xf32> to vector<16xf32>
        %parallel_loop3A_265 = arith.constant 0 : i32
        %parallel_loop3A_266 = vector.broadcast %parallel_loop3A_265 : i32 to vector<16xi32>
        %parallel_loop3A_267 = arith.cmpi slt, %parallel_loop3A_259, %parallel_loop3A_266 : vector<16xi32>
        %parallel_loop3A_268 = arith.constant 0.000000e+00 : f32
        %parallel_loop3A_269 = vector.broadcast %parallel_loop3A_268 : f32 to vector<16xf32>
        %parallel_loop3A_270 = arith.select %parallel_loop3A_267, %parallel_loop3A_264, %parallel_loop3A_269 : vector<16xi1>, vector<16xf32>
        %parallel_loop3A_271 = arith.constant 3 : i32
        %parallel_loop3A_272 = arith.index_cast %parallel_loop3A_271 : i32 to index
        %parallel_loop3A_273 = arith.index_cast %parallel_loop3A_201 : i32 to index
        %parallel_loop3A_274 = tpu.vector_load %arg10[%parallel_loop3A_272, %parallel_loop3A_273] {strides = array<i32>} : memref<16x1024xf32, #tpu.memory_space<vmem>>, vector<1x16xf32>,
        %parallel_loop3A_275 = vector.shape_cast %parallel_loop3A_274 : vector<1x16xf32> to vector<16xf32>
        %parallel_loop3A_276 = vector.shape_cast %parallel_loop3A_270 : vector<16xf32> to vector<1x16xf32>
        tpu.vector_store %arg10[%parallel_loop3A_272, %parallel_loop3A_273], %parallel_loop3A_276 {strides = array<i32>} : memref<16x1024xf32, #tpu.memory_space<vmem>>, vector<1x16xf32>,
        %parallel_loop3A_277 = arith.shli %broadcast_in_dim3A_68, %parallel_loop3A_204 : vector<16xi32>
        %parallel_loop3A_278 = arith.constant 4 : i32
        %parallel_loop3A_279 = arith.index_cast %parallel_loop3A_278 : i32 to index
        %parallel_loop3A_280 = arith.index_cast %parallel_loop3A_201 : i32 to index
        %parallel_loop3A_281 = tpu.vector_load %arg9[%parallel_loop3A_279, %parallel_loop3A_280] {strides = array<i32>} : memref<16x1024xf32, #tpu.memory_space<vmem>>, vector<1x16xf32>,
        %parallel_loop3A_282 = vector.shape_cast %parallel_loop3A_281 : vector<1x16xf32> to vector<16xf32>
        %parallel_loop3A_283 = arith.constant 0 : i32
        %parallel_loop3A_284 = vector.broadcast %parallel_loop3A_283 : i32 to vector<16xi32>
        %parallel_loop3A_285 = arith.cmpi slt, %parallel_loop3A_277, %parallel_loop3A_284 : vector<16xi32>
        %parallel_loop3A_286 = arith.constant 0.000000e+00 : f32
        %parallel_loop3A_287 = vector.broadcast %parallel_loop3A_286 : f32 to vector<16xf32>
        %parallel_loop3A_288 = arith.select %parallel_loop3A_285, %parallel_loop3A_282, %parallel_loop3A_287 : vector<16xi1>, vector<16xf32>
        %parallel_loop3A_289 = arith.constant 4 : i32
        %parallel_loop3A_290 = arith.index_cast %parallel_loop3A_289 : i32 to index
        %parallel_loop3A_291 = arith.index_cast %parallel_loop3A_201 : i32 to index
        %parallel_loop3A_292 = tpu.vector_load %arg10[%parallel_loop3A_290, %parallel_loop3A_291] {strides = array<i32>} : memref<16x1024xf32, #tpu.memory_space<vmem>>, vector<1x16xf32>,
        %parallel_loop3A_293 = vector.shape_cast %parallel_loop3A_292 : vector<1x16xf32> to vector<16xf32>
        %parallel_loop3A_294 = vector.shape_cast %parallel_loop3A_288 : vector<16xf32> to vector<1x16xf32>
        tpu.vector_store %arg10[%parallel_loop3A_290, %parallel_loop3A_291], %parallel_loop3A_294 {strides = array<i32>} : memref<16x1024xf32, #tpu.memory_space<vmem>>, vector<1x16xf32>,
        %parallel_loop3A_295 = arith.shli %broadcast_in_dim3A_71, %parallel_loop3A_204 : vector<16xi32>
        %parallel_loop3A_296 = arith.constant 5 : i32
        %parallel_loop3A_297 = arith.index_cast %parallel_loop3A_296 : i32 to index
        %parallel_loop3A_298 = arith.index_cast %parallel_loop3A_201 : i32 to index
        %parallel_loop3A_299 = tpu.vector_load %arg9[%parallel_loop3A_297, %parallel_loop3A_298] {strides = array<i32>} : memref<16x1024xf32, #tpu.memory_space<vmem>>, vector<1x16xf32>,
        %parallel_loop3A_300 = vector.shape_cast %parallel_loop3A_299 : vector<1x16xf32> to vector<16xf32>
        %parallel_loop3A_301 = arith.constant 0 : i32
        %parallel_loop3A_302 = vector.broadcast %parallel_loop3A_301 : i32 to vector<16xi32>
        %parallel_loop3A_303 = arith.cmpi slt, %parallel_loop3A_295, %parallel_loop3A_302 : vector<16xi32>
        %parallel_loop3A_304 = arith.constant 0.000000e+00 : f32
        %parallel_loop3A_305 = vector.broadcast %parallel_loop3A_304 : f32 to vector<16xf32>
        %parallel_loop3A_306 = arith.select %parallel_loop3A_303, %parallel_loop3A_300, %parallel_loop3A_305 : vector<16xi1>, vector<16xf32>
        %parallel_loop3A_307 = arith.constant 5 : i32
        %parallel_loop3A_308 = arith.index_cast %parallel_loop3A_307 : i32 to index
        %parallel_loop3A_309 = arith.index_cast %parallel_loop3A_201 : i32 to index
        %parallel_loop3A_310 = tpu.vector_load %arg10[%parallel_loop3A_308, %parallel_loop3A_309] {strides = array<i32>} : memref<16x1024xf32, #tpu.memory_space<vmem>>, vector<1x16xf32>,
        %parallel_loop3A_311 = vector.shape_cast %parallel_loop3A_310 : vector<1x16xf32> to vector<16xf32>
        %parallel_loop3A_312 = vector.shape_cast %parallel_loop3A_306 : vector<16xf32> to vector<1x16xf32>
        tpu.vector_store %arg10[%parallel_loop3A_308, %parallel_loop3A_309], %parallel_loop3A_312 {strides = array<i32>} : memref<16x1024xf32, #tpu.memory_space<vmem>>, vector<1x16xf32>,
        %parallel_loop3A_313 = arith.shli %broadcast_in_dim3A_74, %parallel_loop3A_204 : vector<16xi32>
        %parallel_loop3A_314 = arith.constant 6 : i32
        %parallel_loop3A_315 = arith.index_cast %parallel_loop3A_314 : i32 to index
        %parallel_loop3A_316 = arith.index_cast %parallel_loop3A_201 : i32 to index
        %parallel_loop3A_317 = tpu.vector_load %arg9[%parallel_loop3A_315, %parallel_loop3A_316] {strides = array<i32>} : memref<16x1024xf32, #tpu.memory_space<vmem>>, vector<1x16xf32>,
        %parallel_loop3A_318 = vector.shape_cast %parallel_loop3A_317 : vector<1x16xf32> to vector<16xf32>
        %parallel_loop3A_319 = arith.constant 0 : i32
        %parallel_loop3A_320 = vector.broadcast %parallel_loop3A_319 : i32 to vector<16xi32>
        %parallel_loop3A_321 = arith.cmpi slt, %parallel_loop3A_313, %parallel_loop3A_320 : vector<16xi32>
        %parallel_loop3A_322 = arith.constant 0.000000e+00 : f32
        %parallel_loop3A_323 = vector.broadcast %parallel_loop3A_322 : f32 to vector<16xf32>
        %parallel_loop3A_324 = arith.select %parallel_loop3A_321, %parallel_loop3A_318, %parallel_loop3A_323 : vector<16xi1>, vector<16xf32>
        %parallel_loop3A_325 = arith.constant 6 : i32
        %parallel_loop3A_326 = arith.index_cast %parallel_loop3A_325 : i32 to index
        %parallel_loop3A_327 = arith.index_cast %parallel_loop3A_201 : i32 to index
        %parallel_loop3A_328 = tpu.vector_load %arg10[%parallel_loop3A_326, %parallel_loop3A_327] {strides = array<i32>} : memref<16x1024xf32, #tpu.memory_space<vmem>>, vector<1x16xf32>,
        %parallel_loop3A_329 = vector.shape_cast %parallel_loop3A_328 : vector<1x16xf32> to vector<16xf32>
        %parallel_loop3A_330 = vector.shape_cast %parallel_loop3A_324 : vector<16xf32> to vector<1x16xf32>
        tpu.vector_store %arg10[%parallel_loop3A_326, %parallel_loop3A_327], %parallel_loop3A_330 {strides = array<i32>} : memref<16x1024xf32, #tpu.memory_space<vmem>>, vector<1x16xf32>,
        %parallel_loop3A_331 = arith.shli %broadcast_in_dim3A_77, %parallel_loop3A_204 : vector<16xi32>
        %parallel_loop3A_332 = arith.constant 7 : i32
        %parallel_loop3A_333 = arith.index_cast %parallel_loop3A_332 : i32 to index
        %parallel_loop3A_334 = arith.index_cast %parallel_loop3A_201 : i32 to index
        %parallel_loop3A_335 = tpu.vector_load %arg9[%parallel_loop3A_333, %parallel_loop3A_334] {strides = array<i32>} : memref<16x1024xf32, #tpu.memory_space<vmem>>, vector<1x16xf32>,
        %parallel_loop3A_336 = vector.shape_cast %parallel_loop3A_335 : vector<1x16xf32> to vector<16xf32>
        %parallel_loop3A_337 = arith.constant 0 : i32
        %parallel_loop3A_338 = vector.broadcast %parallel_loop3A_337 : i32 to vector<16xi32>
        %parallel_loop3A_339 = arith.cmpi slt, %parallel_loop3A_331, %parallel_loop3A_338 : vector<16xi32>
        %parallel_loop3A_340 = arith.constant 0.000000e+00 : f32
        %parallel_loop3A_341 = vector.broadcast %parallel_loop3A_340 : f32 to vector<16xf32>
        %parallel_loop3A_342 = arith.select %parallel_loop3A_339, %parallel_loop3A_336, %parallel_loop3A_341 : vector<16xi1>, vector<16xf32>
        %parallel_loop3A_343 = arith.constant 7 : i32
        %parallel_loop3A_344 = arith.index_cast %parallel_loop3A_343 : i32 to index
        %parallel_loop3A_345 = arith.index_cast %parallel_loop3A_201 : i32 to index
        %parallel_loop3A_346 = tpu.vector_load %arg10[%parallel_loop3A_344, %parallel_loop3A_345] {strides = array<i32>} : memref<16x1024xf32, #tpu.memory_space<vmem>>, vector<1x16xf32>,
        %parallel_loop3A_347 = vector.shape_cast %parallel_loop3A_346 : vector<1x16xf32> to vector<16xf32>
        %parallel_loop3A_348 = vector.shape_cast %parallel_loop3A_342 : vector<16xf32> to vector<1x16xf32>
        tpu.vector_store %arg10[%parallel_loop3A_344, %parallel_loop3A_345], %parallel_loop3A_348 {strides = array<i32>} : memref<16x1024xf32, #tpu.memory_space<vmem>>, vector<1x16xf32>,
        %parallel_loop3A_349 = arith.shli %broadcast_in_dim3A_80, %parallel_loop3A_204 : vector<16xi32>
        %parallel_loop3A_350 = arith.constant 8 : i32
        %parallel_loop3A_351 = arith.index_cast %parallel_loop3A_350 : i32 to index
        %parallel_loop3A_352 = arith.index_cast %parallel_loop3A_201 : i32 to index
        %parallel_loop3A_353 = tpu.vector_load %arg9[%parallel_loop3A_351, %parallel_loop3A_352] {strides = array<i32>} : memref<16x1024xf32, #tpu.memory_space<vmem>>, vector<1x16xf32>,
        %parallel_loop3A_354 = vector.shape_cast %parallel_loop3A_353 : vector<1x16xf32> to vector<16xf32>
        %parallel_loop3A_355 = arith.constant 0 : i32
        %parallel_loop3A_356 = vector.broadcast %parallel_loop3A_355 : i32 to vector<16xi32>
        %parallel_loop3A_357 = arith.cmpi slt, %parallel_loop3A_349, %parallel_loop3A_356 : vector<16xi32>
        %parallel_loop3A_358 = arith.constant 0.000000e+00 : f32
        %parallel_loop3A_359 = vector.broadcast %parallel_loop3A_358 : f32 to vector<16xf32>
        %parallel_loop3A_360 = arith.select %parallel_loop3A_357, %parallel_loop3A_354, %parallel_loop3A_359 : vector<16xi1>, vector<16xf32>
        %parallel_loop3A_361 = arith.constant 8 : i32
        %parallel_loop3A_362 = arith.index_cast %parallel_loop3A_361 : i32 to index
        %parallel_loop3A_363 = arith.index_cast %parallel_loop3A_201 : i32 to index
        %parallel_loop3A_364 = tpu.vector_load %arg10[%parallel_loop3A_362, %parallel_loop3A_363] {strides = array<i32>} : memref<16x1024xf32, #tpu.memory_space<vmem>>, vector<1x16xf32>,
        %parallel_loop3A_365 = vector.shape_cast %parallel_loop3A_364 : vector<1x16xf32> to vector<16xf32>
        %parallel_loop3A_366 = vector.shape_cast %parallel_loop3A_360 : vector<16xf32> to vector<1x16xf32>
        tpu.vector_store %arg10[%parallel_loop3A_362, %parallel_loop3A_363], %parallel_loop3A_366 {strides = array<i32>} : memref<16x1024xf32, #tpu.memory_space<vmem>>, vector<1x16xf32>,
        %parallel_loop3A_367 = arith.shli %broadcast_in_dim3A_83, %parallel_loop3A_204 : vector<16xi32>
        %parallel_loop3A_368 = arith.constant 9 : i32
        %parallel_loop3A_369 = arith.index_cast %parallel_loop3A_368 : i32 to index
        %parallel_loop3A_370 = arith.index_cast %parallel_loop3A_201 : i32 to index
        %parallel_loop3A_371 = tpu.vector_load %arg9[%parallel_loop3A_369, %parallel_loop3A_370] {strides = array<i32>} : memref<16x1024xf32, #tpu.memory_space<vmem>>, vector<1x16xf32>,
        %parallel_loop3A_372 = vector.shape_cast %parallel_loop3A_371 : vector<1x16xf32> to vector<16xf32>
        %parallel_loop3A_373 = arith.constant 0 : i32
        %parallel_loop3A_374 = vector.broadcast %parallel_loop3A_373 : i32 to vector<16xi32>
        %parallel_loop3A_375 = arith.cmpi slt, %parallel_loop3A_367, %parallel_loop3A_374 : vector<16xi32>
        %parallel_loop3A_376 = arith.constant 0.000000e+00 : f32
        %parallel_loop3A_377 = vector.broadcast %parallel_loop3A_376 : f32 to vector<16xf32>
        %parallel_loop3A_378 = arith.select %parallel_loop3A_375, %parallel_loop3A_372, %parallel_loop3A_377 : vector<16xi1>, vector<16xf32>
        %parallel_loop3A_379 = arith.constant 9 : i32
        %parallel_loop3A_380 = arith.index_cast %parallel_loop3A_379 : i32 to index
        %parallel_loop3A_381 = arith.index_cast %parallel_loop3A_201 : i32 to index
        %parallel_loop3A_382 = tpu.vector_load %arg10[%parallel_loop3A_380, %parallel_loop3A_381] {strides = array<i32>} : memref<16x1024xf32, #tpu.memory_space<vmem>>, vector<1x16xf32>,
        %parallel_loop3A_383 = vector.shape_cast %parallel_loop3A_382 : vector<1x16xf32> to vector<16xf32>
        %parallel_loop3A_384 = vector.shape_cast %parallel_loop3A_378 : vector<16xf32> to vector<1x16xf32>
        tpu.vector_store %arg10[%parallel_loop3A_380, %parallel_loop3A_381], %parallel_loop3A_384 {strides = array<i32>} : memref<16x1024xf32, #tpu.memory_space<vmem>>, vector<1x16xf32>,
        %parallel_loop3A_385 = arith.shli %broadcast_in_dim3A_86, %parallel_loop3A_204 : vector<16xi32>
        %parallel_loop3A_386 = arith.constant 10 : i32
        %parallel_loop3A_387 = arith.index_cast %parallel_loop3A_386 : i32 to index
        %parallel_loop3A_388 = arith.index_cast %parallel_loop3A_201 : i32 to index
        %parallel_loop3A_389 = tpu.vector_load %arg9[%parallel_loop3A_387, %parallel_loop3A_388] {strides = array<i32>} : memref<16x1024xf32, #tpu.memory_space<vmem>>, vector<1x16xf32>,
        %parallel_loop3A_390 = vector.shape_cast %parallel_loop3A_389 : vector<1x16xf32> to vector<16xf32>
        %parallel_loop3A_391 = arith.constant 0 : i32
        %parallel_loop3A_392 = vector.broadcast %parallel_loop3A_391 : i32 to vector<16xi32>
        %parallel_loop3A_393 = arith.cmpi slt, %parallel_loop3A_385, %parallel_loop3A_392 : vector<16xi32>
        %parallel_loop3A_394 = arith.constant 0.000000e+00 : f32
        %parallel_loop3A_395 = vector.broadcast %parallel_loop3A_394 : f32 to vector<16xf32>
        %parallel_loop3A_396 = arith.select %parallel_loop3A_393, %parallel_loop3A_390, %parallel_loop3A_395 : vector<16xi1>, vector<16xf32>
        %parallel_loop3A_397 = arith.constant 10 : i32
        %parallel_loop3A_398 = arith.index_cast %parallel_loop3A_397 : i32 to index
        %parallel_loop3A_399 = arith.index_cast %parallel_loop3A_201 : i32 to index
        %parallel_loop3A_400 = tpu.vector_load %arg10[%parallel_loop3A_398, %parallel_loop3A_399] {strides = array<i32>} : memref<16x1024xf32, #tpu.memory_space<vmem>>, vector<1x16xf32>,
        %parallel_loop3A_401 = vector.shape_cast %parallel_loop3A_400 : vector<1x16xf32> to vector<16xf32>
        %parallel_loop3A_402 = vector.shape_cast %parallel_loop3A_396 : vector<16xf32> to vector<1x16xf32>
        tpu.vector_store %arg10[%parallel_loop3A_398, %parallel_loop3A_399], %parallel_loop3A_402 {strides = array<i32>} : memref<16x1024xf32, #tpu.memory_space<vmem>>, vector<1x16xf32>,
        %parallel_loop3A_403 = arith.shli %broadcast_in_dim3A_89, %parallel_loop3A_204 : vector<16xi32>
        %parallel_loop3A_404 = arith.constant 11 : i32
        %parallel_loop3A_405 = arith.index_cast %parallel_loop3A_404 : i32 to index
        %parallel_loop3A_406 = arith.index_cast %parallel_loop3A_201 : i32 to index
        %parallel_loop3A_407 = tpu.vector_load %arg9[%parallel_loop3A_405, %parallel_loop3A_406] {strides = array<i32>} : memref<16x1024xf32, #tpu.memory_space<vmem>>, vector<1x16xf32>,
        %parallel_loop3A_408 = vector.shape_cast %parallel_loop3A_407 : vector<1x16xf32> to vector<16xf32>
        %parallel_loop3A_409 = arith.constant 0 : i32
        %parallel_loop3A_410 = vector.broadcast %parallel_loop3A_409 : i32 to vector<16xi32>
        %parallel_loop3A_411 = arith.cmpi slt, %parallel_loop3A_403, %parallel_loop3A_410 : vector<16xi32>
        %parallel_loop3A_412 = arith.constant 0.000000e+00 : f32
        %parallel_loop3A_413 = vector.broadcast %parallel_loop3A_412 : f32 to vector<16xf32>
        %parallel_loop3A_414 = arith.select %parallel_loop3A_411, %parallel_loop3A_408, %parallel_loop3A_413 : vector<16xi1>, vector<16xf32>
        %parallel_loop3A_415 = arith.constant 11 : i32
        %parallel_loop3A_416 = arith.index_cast %parallel_loop3A_415 : i32 to index
        %parallel_loop3A_417 = arith.index_cast %parallel_loop3A_201 : i32 to index
        %parallel_loop3A_418 = tpu.vector_load %arg10[%parallel_loop3A_416, %parallel_loop3A_417] {strides = array<i32>} : memref<16x1024xf32, #tpu.memory_space<vmem>>, vector<1x16xf32>,
        %parallel_loop3A_419 = vector.shape_cast %parallel_loop3A_418 : vector<1x16xf32> to vector<16xf32>
        %parallel_loop3A_420 = vector.shape_cast %parallel_loop3A_414 : vector<16xf32> to vector<1x16xf32>
        tpu.vector_store %arg10[%parallel_loop3A_416, %parallel_loop3A_417], %parallel_loop3A_420 {strides = array<i32>} : memref<16x1024xf32, #tpu.memory_space<vmem>>, vector<1x16xf32>,
        %parallel_loop3A_421 = arith.shli %broadcast_in_dim3A_92, %parallel_loop3A_204 : vector<16xi32>
        %parallel_loop3A_422 = arith.constant 12 : i32
        %parallel_loop3A_423 = arith.index_cast %parallel_loop3A_422 : i32 to index
        %parallel_loop3A_424 = arith.index_cast %parallel_loop3A_201 : i32 to index
        %parallel_loop3A_425 = tpu.vector_load %arg9[%parallel_loop3A_423, %parallel_loop3A_424] {strides = array<i32>} : memref<16x1024xf32, #tpu.memory_space<vmem>>, vector<1x16xf32>,
        %parallel_loop3A_426 = vector.shape_cast %parallel_loop3A_425 : vector<1x16xf32> to vector<16xf32>
        %parallel_loop3A_427 = arith.constant 0 : i32
        %parallel_loop3A_428 = vector.broadcast %parallel_loop3A_427 : i32 to vector<16xi32>
        %parallel_loop3A_429 = arith.cmpi slt, %parallel_loop3A_421, %parallel_loop3A_428 : vector<16xi32>
        %parallel_loop3A_430 = arith.constant 0.000000e+00 : f32
        %parallel_loop3A_431 = vector.broadcast %parallel_loop3A_430 : f32 to vector<16xf32>
        %parallel_loop3A_432 = arith.select %parallel_loop3A_429, %parallel_loop3A_426, %parallel_loop3A_431 : vector<16xi1>, vector<16xf32>
        %parallel_loop3A_433 = arith.constant 12 : i32
        %parallel_loop3A_434 = arith.index_cast %parallel_loop3A_433 : i32 to index
        %parallel_loop3A_435 = arith.index_cast %parallel_loop3A_201 : i32 to index
        %parallel_loop3A_436 = tpu.vector_load %arg10[%parallel_loop3A_434, %parallel_loop3A_435] {strides = array<i32>} : memref<16x1024xf32, #tpu.memory_space<vmem>>, vector<1x16xf32>,
        %parallel_loop3A_437 = vector.shape_cast %parallel_loop3A_436 : vector<1x16xf32> to vector<16xf32>
        %parallel_loop3A_438 = vector.shape_cast %parallel_loop3A_432 : vector<16xf32> to vector<1x16xf32>
        tpu.vector_store %arg10[%parallel_loop3A_434, %parallel_loop3A_435], %parallel_loop3A_438 {strides = array<i32>} : memref<16x1024xf32, #tpu.memory_space<vmem>>, vector<1x16xf32>,
        %parallel_loop3A_439 = arith.shli %broadcast_in_dim3A_95, %parallel_loop3A_204 : vector<16xi32>
        %parallel_loop3A_440 = arith.constant 13 : i32
        %parallel_loop3A_441 = arith.index_cast %parallel_loop3A_440 : i32 to index
        %parallel_loop3A_442 = arith.index_cast %parallel_loop3A_201 : i32 to index
        %parallel_loop3A_443 = tpu.vector_load %arg9[%parallel_loop3A_441, %parallel_loop3A_442] {strides = array<i32>} : memref<16x1024xf32, #tpu.memory_space<vmem>>, vector<1x16xf32>,
        %parallel_loop3A_444 = vector.shape_cast %parallel_loop3A_443 : vector<1x16xf32> to vector<16xf32>
        %parallel_loop3A_445 = arith.constant 0 : i32
        %parallel_loop3A_446 = vector.broadcast %parallel_loop3A_445 : i32 to vector<16xi32>
        %parallel_loop3A_447 = arith.cmpi slt, %parallel_loop3A_439, %parallel_loop3A_446 : vector<16xi32>
        %parallel_loop3A_448 = arith.constant 0.000000e+00 : f32
        %parallel_loop3A_449 = vector.broadcast %parallel_loop3A_448 : f32 to vector<16xf32>
        %parallel_loop3A_450 = arith.select %parallel_loop3A_447, %parallel_loop3A_444, %parallel_loop3A_449 : vector<16xi1>, vector<16xf32>
        %parallel_loop3A_451 = arith.constant 13 : i32
        %parallel_loop3A_452 = arith.index_cast %parallel_loop3A_451 : i32 to index
        %parallel_loop3A_453 = arith.index_cast %parallel_loop3A_201 : i32 to index
        %parallel_loop3A_454 = tpu.vector_load %arg10[%parallel_loop3A_452, %parallel_loop3A_453] {strides = array<i32>} : memref<16x1024xf32, #tpu.memory_space<vmem>>, vector<1x16xf32>,
        %parallel_loop3A_455 = vector.shape_cast %parallel_loop3A_454 : vector<1x16xf32> to vector<16xf32>
        %parallel_loop3A_456 = vector.shape_cast %parallel_loop3A_450 : vector<16xf32> to vector<1x16xf32>
        tpu.vector_store %arg10[%parallel_loop3A_452, %parallel_loop3A_453], %parallel_loop3A_456 {strides = array<i32>} : memref<16x1024xf32, #tpu.memory_space<vmem>>, vector<1x16xf32>,
        %parallel_loop3A_457 = arith.shli %broadcast_in_dim3A_98, %parallel_loop3A_204 : vector<16xi32>
        %parallel_loop3A_458 = arith.constant 14 : i32
        %parallel_loop3A_459 = arith.index_cast %parallel_loop3A_458 : i32 to index
        %parallel_loop3A_460 = arith.index_cast %parallel_loop3A_201 : i32 to index
        %parallel_loop3A_461 = tpu.vector_load %arg9[%parallel_loop3A_459, %parallel_loop3A_460] {strides = array<i32>} : memref<16x1024xf32, #tpu.memory_space<vmem>>, vector<1x16xf32>,
        %parallel_loop3A_462 = vector.shape_cast %parallel_loop3A_461 : vector<1x16xf32> to vector<16xf32>
        %parallel_loop3A_463 = arith.constant 0 : i32
        %parallel_loop3A_464 = vector.broadcast %parallel_loop3A_463 : i32 to vector<16xi32>
        %parallel_loop3A_465 = arith.cmpi slt, %parallel_loop3A_457, %parallel_loop3A_464 : vector<16xi32>
        %parallel_loop3A_466 = arith.constant 0.000000e+00 : f32
        %parallel_loop3A_467 = vector.broadcast %parallel_loop3A_466 : f32 to vector<16xf32>
        %parallel_loop3A_468 = arith.select %parallel_loop3A_465, %parallel_loop3A_462, %parallel_loop3A_467 : vector<16xi1>, vector<16xf32>
        %parallel_loop3A_469 = arith.constant 14 : i32
        %parallel_loop3A_470 = arith.index_cast %parallel_loop3A_469 : i32 to index
        %parallel_loop3A_471 = arith.index_cast %parallel_loop3A_201 : i32 to index
        %parallel_loop3A_472 = tpu.vector_load %arg10[%parallel_loop3A_470, %parallel_loop3A_471] {strides = array<i32>} : memref<16x1024xf32, #tpu.memory_space<vmem>>, vector<1x16xf32>,
        %parallel_loop3A_473 = vector.shape_cast %parallel_loop3A_472 : vector<1x16xf32> to vector<16xf32>
        %parallel_loop3A_474 = vector.shape_cast %parallel_loop3A_468 : vector<16xf32> to vector<1x16xf32>
        tpu.vector_store %arg10[%parallel_loop3A_470, %parallel_loop3A_471], %parallel_loop3A_474 {strides = array<i32>} : memref<16x1024xf32, #tpu.memory_space<vmem>>, vector<1x16xf32>,
        %parallel_loop3A_475 = arith.shli %broadcast_in_dim3A_101, %parallel_loop3A_204 : vector<16xi32>
        %parallel_loop3A_476 = arith.constant 15 : i32
        %parallel_loop3A_477 = arith.index_cast %parallel_loop3A_476 : i32 to index
        %parallel_loop3A_478 = arith.index_cast %parallel_loop3A_201 : i32 to index
        %parallel_loop3A_479 = tpu.vector_load %arg9[%parallel_loop3A_477, %parallel_loop3A_478] {strides = array<i32>} : memref<16x1024xf32, #tpu.memory_space<vmem>>, vector<1x16xf32>,
        %parallel_loop3A_480 = vector.shape_cast %parallel_loop3A_479 : vector<1x16xf32> to vector<16xf32>
        %parallel_loop3A_481 = arith.constant 0 : i32
        %parallel_loop3A_482 = vector.broadcast %parallel_loop3A_481 : i32 to vector<16xi32>
        %parallel_loop3A_483 = arith.cmpi slt, %parallel_loop3A_475, %parallel_loop3A_482 : vector<16xi32>
        %parallel_loop3A_484 = arith.constant 0.000000e+00 : f32
        %parallel_loop3A_485 = vector.broadcast %parallel_loop3A_484 : f32 to vector<16xf32>
        %parallel_loop3A_486 = arith.select %parallel_loop3A_483, %parallel_loop3A_480, %parallel_loop3A_485 : vector<16xi1>, vector<16xf32>
        %parallel_loop3A_487 = arith.constant 15 : i32
        %parallel_loop3A_488 = arith.index_cast %parallel_loop3A_487 : i32 to index
        %parallel_loop3A_489 = arith.index_cast %parallel_loop3A_201 : i32 to index
        %parallel_loop3A_490 = tpu.vector_load %arg10[%parallel_loop3A_488, %parallel_loop3A_489] {strides = array<i32>} : memref<16x1024xf32, #tpu.memory_space<vmem>>, vector<1x16xf32>,
        %parallel_loop3A_491 = vector.shape_cast %parallel_loop3A_490 : vector<1x16xf32> to vector<16xf32>
        %parallel_loop3A_492 = vector.shape_cast %parallel_loop3A_486 : vector<16xf32> to vector<1x16xf32>
        tpu.vector_store %arg10[%parallel_loop3A_488, %parallel_loop3A_489], %parallel_loop3A_492 {strides = array<i32>} : memref<16x1024xf32, #tpu.memory_space<vmem>>, vector<1x16xf32>,
      } {sc.loop_unroll_factor = 1 : i64, sc.parallel_access}
      %mul3A_104 = arith.constant 16 : i32
      %mul3A_105 = arith.muli %add3A_44, %mul3A_104 : i32
      %add3A_106 = arith.addi %min3A_3, %mul3A_105 : i32
      %dma_start3A_107 = arith.constant 0 : i32
      %dma_start3A_108 = tpu.memref_slice %arg5[%add3A_106, %dma_start3A_107] : memref<100000x1024xf32, #tpu.memory_space<hbm>> -> memref<16x1024xf32, #tpu.memory_space<hbm>>
      %dma_start3A_109 = arith.constant 0 : i32
      %dma_start3A_110 = tpu.memref_slice %arg5[%add3A_106, %dma_start3A_109] : memref<100000x1024xf32, #tpu.memory_space<hbm>> -> memref<16x1024xf32, #tpu.memory_space<hbm>>
      tpu.enqueue_dma source(%arg10 : memref<16x1024xf32, #tpu.memory_space<vmem>>) target(%dma_start3A_110 : memref<16x1024xf32, #tpu.memory_space<hbm>>) target_semaphore(%arg14 : memref<!tpu.dma_semaphore, #tpu.memory_space<semaphore_mem>>)
      %lt3A = arith.constant 97 : i32
      %lt3A_111 = arith.cmpi slt, %scan3A_39, %lt3A : i32
      %convert_element_type3A_112 = arith.extui %lt3A_111 : i1 to i32
      %cond3A_113 = arith.constant 0 : i32
      %cond3A_114 = arith.cmpi ne, %convert_element_type3A_112, %cond3A_113 : i32
      scf.if %cond3A_114 {
        %add3A_199 = arith.constant 2 : i32
        %add3A_200 = arith.addi %add3A_44, %add3A_199 : i32
        %mul3A_201 = arith.constant 16 : i32
        %mul3A_202 = arith.muli %add3A_200, %mul3A_201 : i32
        %add3A_203 = arith.addi %min3A_3, %mul3A_202 : i32
        %dma_start3A_204 = arith.constant 0 : i32
        %dma_start3A_205 = tpu.memref_slice %arg2[%add3A_203, %dma_start3A_204] : memref<100000x1024xf32, #tpu.memory_space<hbm>> -> memref<16x1024xf32, #tpu.memory_space<hbm>>
        %dma_start3A_206 = arith.constant 0 : i32
        %dma_start3A_207 = tpu.memref_slice %arg2[%add3A_203, %dma_start3A_206] : memref<100000x1024xf32, #tpu.memory_space<hbm>> -> memref<16x1024xf32, #tpu.memory_space<hbm>>
        tpu.enqueue_dma source(%dma_start3A_207 : memref<16x1024xf32, #tpu.memory_space<hbm>>) target(%arg9 : memref<16x1024xf32, #tpu.memory_space<vmem>>) target_semaphore(%arg13 : memref<!tpu.dma_semaphore, #tpu.memory_space<semaphore_mem>>)
      } else {
      }
      %mul3A_115 = arith.constant 2 : i32
      %mul3A_116 = arith.muli %scan3A_39, %mul3A_115 : i32
      %add3A_117 = arith.constant 1 : i32
      %add3A_118 = arith.addi %mul3A_116, %add3A_117 : i32
      %dma_wait3A_119 = arith.constant 0 : i32
      %dma_wait3A_120 = arith.constant 0 : i32
      %dma_wait3A_121 = tpu.memref_slice %arg2[%dma_wait3A_119, %dma_wait3A_120] : memref<100000x1024xf32, #tpu.memory_space<hbm>> -> memref<16x1024xf32, #tpu.memory_space<hbm>>
      %dma_wait3A_122 = arith.constant 0 : i32
      %dma_wait3A_123 = arith.constant 0 : i32
      %dma_wait3A_124 = tpu.memref_slice %arg2[%dma_wait3A_122, %dma_wait3A_123] : memref<100000x1024xf32, #tpu.memory_space<hbm>> -> memref<16x1024xf32, #tpu.memory_space<hbm>>
      tpu.wait_dma2 semaphore(%arg15 : memref<!tpu.dma_semaphore, #tpu.memory_space<semaphore_mem>>) src(%dma_wait3A_124 : memref<16x1024xf32, #tpu.memory_space<hbm>>) dst(%arg11 : memref<16x1024xf32, #tpu.memory_space<vmem>>)
      %gt3A_125 = arith.constant 0 : i32
      %gt3A_126 = arith.cmpi sgt, %scan3A_39, %gt3A_125 : i32
      %convert_element_type3A_127 = arith.extui %gt3A_126 : i1 to i32
      %cond3A_128 = arith.constant 0 : i32
      %cond3A_129 = arith.cmpi ne, %convert_element_type3A_127, %cond3A_128 : i32
      scf.if %cond3A_129 {
        %dma_wait3A_199 = arith.constant 0 : i32
        %dma_wait3A_200 = arith.constant 0 : i32
        %dma_wait3A_201 = tpu.memref_slice %arg5[%dma_wait3A_199, %dma_wait3A_200] : memref<100000x1024xf32, #tpu.memory_space<hbm>> -> memref<16x1024xf32, #tpu.memory_space<hbm>>
        %dma_wait3A_202 = arith.constant 0 : i32
        %dma_wait3A_203 = arith.constant 0 : i32
        %dma_wait3A_204 = tpu.memref_slice %arg5[%dma_wait3A_202, %dma_wait3A_203] : memref<100000x1024xf32, #tpu.memory_space<hbm>> -> memref<16x1024xf32, #tpu.memory_space<hbm>>
        tpu.wait_dma2 semaphore(%arg16 : memref<!tpu.dma_semaphore, #tpu.memory_space<semaphore_mem>>) src(%arg12 : memref<16x1024xf32, #tpu.memory_space<vmem>>) dst(%dma_wait3A_204 : memref<16x1024xf32, #tpu.memory_space<hbm>>)
      } else {
      }
      %mul3A_130 = arith.constant 16 : i32
      %mul3A_131 = arith.muli %add3A_118, %mul3A_130 : i32
      %get3A_132 = arith.index_cast %mul3A_131 : i32 to index
      %get3A_133 = tpu.vector_load %arg8[%get3A_132] {strides = array<i32>} : memref<3136xi32, #tpu.memory_space<vmem>>, vector<16xi32>,
      %get3A_134 = vector.shape_cast %get3A_133 : vector<16xi32> to vector<16xi32>
      %slice3A_135 = vector.extract_strided_slice %get3A_134 {offsets = [0], sizes = [1], strides = [1]} : vector<16xi32> to vector<1xi32>
      %squeeze3A_136 = vector.extract %slice3A_135[0] : i32 from vector<1xi32>
      %broadcast_in_dim3A_137 = vector.broadcast %squeeze3A_136 : i32 to vector<16xi32>
      %slice3A_138 = vector.extract_strided_slice %get3A_134 {offsets = [1], sizes = [1], strides = [1]} : vector<16xi32> to vector<1xi32>
      %squeeze3A_139 = vector.extract %slice3A_138[0] : i32 from vector<1xi32>
      %broadcast_in_dim3A_140 = vector.broadcast %squeeze3A_139 : i32 to vector<16xi32>
      %slice3A_141 = vector.extract_strided_slice %get3A_134 {offsets = [2], sizes = [1], strides = [1]} : vector<16xi32> to vector<1xi32>
      %squeeze3A_142 = vector.extract %slice3A_141[0] : i32 from vector<1xi32>
      %broadcast_in_dim3A_143 = vector.broadcast %squeeze3A_142 : i32 to vector<16xi32>
      %slice3A_144 = vector.extract_strided_slice %get3A_134 {offsets = [3], sizes = [1], strides = [1]} : vector<16xi32> to vector<1xi32>
      %squeeze3A_145 = vector.extract %slice3A_144[0] : i32 from vector<1xi32>
      %broadcast_in_dim3A_146 = vector.broadcast %squeeze3A_145 : i32 to vector<16xi32>
      %slice3A_147 = vector.extract_strided_slice %get3A_134 {offsets = [4], sizes = [1], strides = [1]} : vector<16xi32> to vector<1xi32>
      %squeeze3A_148 = vector.extract %slice3A_147[0] : i32 from vector<1xi32>
      %broadcast_in_dim3A_149 = vector.broadcast %squeeze3A_148 : i32 to vector<16xi32>
      %slice3A_150 = vector.extract_strided_slice %get3A_134 {offsets = [5], sizes = [1], strides = [1]} : vector<16xi32> to vector<1xi32>
      %squeeze3A_151 = vector.extract %slice3A_150[0] : i32 from vector<1xi32>
      %broadcast_in_dim3A_152 = vector.broadcast %squeeze3A_151 : i32 to vector<16xi32>
      %slice3A_153 = vector.extract_strided_slice %get3A_134 {offsets = [6], sizes = [1], strides = [1]} : vector<16xi32> to vector<1xi32>
      %squeeze3A_154 = vector.extract %slice3A_153[0] : i32 from vector<1xi32>
      %broadcast_in_dim3A_155 = vector.broadcast %squeeze3A_154 : i32 to vector<16xi32>
      %slice3A_156 = vector.extract_strided_slice %get3A_134 {offsets = [7], sizes = [1], strides = [1]} : vector<16xi32> to vector<1xi32>
      %squeeze3A_157 = vector.extract %slice3A_156[0] : i32 from vector<1xi32>
      %broadcast_in_dim3A_158 = vector.broadcast %squeeze3A_157 : i32 to vector<16xi32>
      %slice3A_159 = vector.extract_strided_slice %get3A_134 {offsets = [8], sizes = [1], strides = [1]} : vector<16xi32> to vector<1xi32>
      %squeeze3A_160 = vector.extract %slice3A_159[0] : i32 from vector<1xi32>
      %broadcast_in_dim3A_161 = vector.broadcast %squeeze3A_160 : i32 to vector<16xi32>
      %slice3A_162 = vector.extract_strided_slice %get3A_134 {offsets = [9], sizes = [1], strides = [1]} : vector<16xi32> to vector<1xi32>
      %squeeze3A_163 = vector.extract %slice3A_162[0] : i32 from vector<1xi32>
      %broadcast_in_dim3A_164 = vector.broadcast %squeeze3A_163 : i32 to vector<16xi32>
      %slice3A_165 = vector.extract_strided_slice %get3A_134 {offsets = [10], sizes = [1], strides = [1]} : vector<16xi32> to vector<1xi32>
      %squeeze3A_166 = vector.extract %slice3A_165[0] : i32 from vector<1xi32>
      %broadcast_in_dim3A_167 = vector.broadcast %squeeze3A_166 : i32 to vector<16xi32>
      %slice3A_168 = vector.extract_strided_slice %get3A_134 {offsets = [11], sizes = [1], strides = [1]} : vector<16xi32> to vector<1xi32>
      %squeeze3A_169 = vector.extract %slice3A_168[0] : i32 from vector<1xi32>
      %broadcast_in_dim3A_170 = vector.broadcast %squeeze3A_169 : i32 to vector<16xi32>
      %slice3A_171 = vector.extract_strided_slice %get3A_134 {offsets = [12], sizes = [1], strides = [1]} : vector<16xi32> to vector<1xi32>
      %squeeze3A_172 = vector.extract %slice3A_171[0] : i32 from vector<1xi32>
      %broadcast_in_dim3A_173 = vector.broadcast %squeeze3A_172 : i32 to vector<16xi32>
      %slice3A_174 = vector.extract_strided_slice %get3A_134 {offsets = [13], sizes = [1], strides = [1]} : vector<16xi32> to vector<1xi32>
      %squeeze3A_175 = vector.extract %slice3A_174[0] : i32 from vector<1xi32>
      %broadcast_in_dim3A_176 = vector.broadcast %squeeze3A_175 : i32 to vector<16xi32>
      %slice3A_177 = vector.extract_strided_slice %get3A_134 {offsets = [14], sizes = [1], strides = [1]} : vector<16xi32> to vector<1xi32>
      %squeeze3A_178 = vector.extract %slice3A_177[0] : i32 from vector<1xi32>
      %broadcast_in_dim3A_179 = vector.broadcast %squeeze3A_178 : i32 to vector<16xi32>
      %slice3A_180 = vector.extract_strided_slice %get3A_134 {offsets = [15], sizes = [1], strides = [1]} : vector<16xi32> to vector<1xi32>
      %squeeze3A_181 = vector.extract %slice3A_180[0] : i32 from vector<1xi32>
      %broadcast_in_dim3A_182 = vector.broadcast %squeeze3A_181 : i32 to vector<16xi32>
      %parallel_loop3A_183 = arith.constant 0 : i32
      %parallel_loop3A_184 = arith.constant 64 : i32
      %parallel_loop3A_185 = arith.constant 1 : i32
      scf.for %parallel_loop3A_199 = %parallel_loop3A_183 to %parallel_loop3A_184 step %parallel_loop3A_185  : i32 {
        %parallel_loop3A_200 = arith.constant 16 : i32
        %parallel_loop3A_201 = arith.muli %parallel_loop3A_199, %parallel_loop3A_200 : i32
        %parallel_loop3A_202 = arith.index_cast %parallel_loop3A_201 : i32 to index
        %parallel_loop3A_203 = tpu.vector_load %arg7[%parallel_loop3A_202] {strides = array<i32>} : memref<1024xi32, #tpu.memory_space<vmem>>, vector<16xi32>,
        %parallel_loop3A_204 = vector.shape_cast %parallel_loop3A_203 : vector<16xi32> to vector<16xi32>
        %parallel_loop3A_205 = arith.shli %broadcast_in_dim3A_137, %parallel_loop3A_204 : vector<16xi32>
        %parallel_loop3A_206 = arith.constant 0 : i32
        %parallel_loop3A_207 = arith.index_cast %parallel_loop3A_206 : i32 to index
        %parallel_loop3A_208 = arith.index_cast %parallel_loop3A_201 : i32 to index
        %parallel_loop3A_209 = tpu.vector_load %arg11[%parallel_loop3A_207, %parallel_loop3A_208] {strides = array<i32>} : memref<16x1024xf32, #tpu.memory_space<vmem>>, vector<1x16xf32>,
        %parallel_loop3A_210 = vector.shape_cast %parallel_loop3A_209 : vector<1x16xf32> to vector<16xf32>
        %parallel_loop3A_211 = arith.constant 0 : i32
        %parallel_loop3A_212 = vector.broadcast %parallel_loop3A_211 : i32 to vector<16xi32>
        %parallel_loop3A_213 = arith.cmpi slt, %parallel_loop3A_205, %parallel_loop3A_212 : vector<16xi32>
        %parallel_loop3A_214 = arith.constant 0.000000e+00 : f32
        %parallel_loop3A_215 = vector.broadcast %parallel_loop3A_214 : f32 to vector<16xf32>
        %parallel_loop3A_216 = arith.select %parallel_loop3A_213, %parallel_loop3A_210, %parallel_loop3A_215 : vector<16xi1>, vector<16xf32>
        %parallel_loop3A_217 = arith.constant 0 : i32
        %parallel_loop3A_218 = arith.index_cast %parallel_loop3A_217 : i32 to index
        %parallel_loop3A_219 = arith.index_cast %parallel_loop3A_201 : i32 to index
        %parallel_loop3A_220 = tpu.vector_load %arg12[%parallel_loop3A_218, %parallel_loop3A_219] {strides = array<i32>} : memref<16x1024xf32, #tpu.memory_space<vmem>>, vector<1x16xf32>,
        %parallel_loop3A_221 = vector.shape_cast %parallel_loop3A_220 : vector<1x16xf32> to vector<16xf32>
        %parallel_loop3A_222 = vector.shape_cast %parallel_loop3A_216 : vector<16xf32> to vector<1x16xf32>
        tpu.vector_store %arg12[%parallel_loop3A_218, %parallel_loop3A_219], %parallel_loop3A_222 {strides = array<i32>} : memref<16x1024xf32, #tpu.memory_space<vmem>>, vector<1x16xf32>,
        %parallel_loop3A_223 = arith.shli %broadcast_in_dim3A_140, %parallel_loop3A_204 : vector<16xi32>
        %parallel_loop3A_224 = arith.constant 1 : i32
        %parallel_loop3A_225 = arith.index_cast %parallel_loop3A_224 : i32 to index
        %parallel_loop3A_226 = arith.index_cast %parallel_loop3A_201 : i32 to index
        %parallel_loop3A_227 = tpu.vector_load %arg11[%parallel_loop3A_225, %parallel_loop3A_226] {strides = array<i32>} : memref<16x1024xf32, #tpu.memory_space<vmem>>, vector<1x16xf32>,
        %parallel_loop3A_228 = vector.shape_cast %parallel_loop3A_227 : vector<1x16xf32> to vector<16xf32>
        %parallel_loop3A_229 = arith.constant 0 : i32
        %parallel_loop3A_230 = vector.broadcast %parallel_loop3A_229 : i32 to vector<16xi32>
        %parallel_loop3A_231 = arith.cmpi slt, %parallel_loop3A_223, %parallel_loop3A_230 : vector<16xi32>
        %parallel_loop3A_232 = arith.constant 0.000000e+00 : f32
        %parallel_loop3A_233 = vector.broadcast %parallel_loop3A_232 : f32 to vector<16xf32>
        %parallel_loop3A_234 = arith.select %parallel_loop3A_231, %parallel_loop3A_228, %parallel_loop3A_233 : vector<16xi1>, vector<16xf32>
        %parallel_loop3A_235 = arith.constant 1 : i32
        %parallel_loop3A_236 = arith.index_cast %parallel_loop3A_235 : i32 to index
        %parallel_loop3A_237 = arith.index_cast %parallel_loop3A_201 : i32 to index
        %parallel_loop3A_238 = tpu.vector_load %arg12[%parallel_loop3A_236, %parallel_loop3A_237] {strides = array<i32>} : memref<16x1024xf32, #tpu.memory_space<vmem>>, vector<1x16xf32>,
        %parallel_loop3A_239 = vector.shape_cast %parallel_loop3A_238 : vector<1x16xf32> to vector<16xf32>
        %parallel_loop3A_240 = vector.shape_cast %parallel_loop3A_234 : vector<16xf32> to vector<1x16xf32>
        tpu.vector_store %arg12[%parallel_loop3A_236, %parallel_loop3A_237], %parallel_loop3A_240 {strides = array<i32>} : memref<16x1024xf32, #tpu.memory_space<vmem>>, vector<1x16xf32>,
        %parallel_loop3A_241 = arith.shli %broadcast_in_dim3A_143, %parallel_loop3A_204 : vector<16xi32>
        %parallel_loop3A_242 = arith.constant 2 : i32
        %parallel_loop3A_243 = arith.index_cast %parallel_loop3A_242 : i32 to index
        %parallel_loop3A_244 = arith.index_cast %parallel_loop3A_201 : i32 to index
        %parallel_loop3A_245 = tpu.vector_load %arg11[%parallel_loop3A_243, %parallel_loop3A_244] {strides = array<i32>} : memref<16x1024xf32, #tpu.memory_space<vmem>>, vector<1x16xf32>,
        %parallel_loop3A_246 = vector.shape_cast %parallel_loop3A_245 : vector<1x16xf32> to vector<16xf32>
        %parallel_loop3A_247 = arith.constant 0 : i32
        %parallel_loop3A_248 = vector.broadcast %parallel_loop3A_247 : i32 to vector<16xi32>
        %parallel_loop3A_249 = arith.cmpi slt, %parallel_loop3A_241, %parallel_loop3A_248 : vector<16xi32>
        %parallel_loop3A_250 = arith.constant 0.000000e+00 : f32
        %parallel_loop3A_251 = vector.broadcast %parallel_loop3A_250 : f32 to vector<16xf32>
        %parallel_loop3A_252 = arith.select %parallel_loop3A_249, %parallel_loop3A_246, %parallel_loop3A_251 : vector<16xi1>, vector<16xf32>
        %parallel_loop3A_253 = arith.constant 2 : i32
        %parallel_loop3A_254 = arith.index_cast %parallel_loop3A_253 : i32 to index
        %parallel_loop3A_255 = arith.index_cast %parallel_loop3A_201 : i32 to index
        %parallel_loop3A_256 = tpu.vector_load %arg12[%parallel_loop3A_254, %parallel_loop3A_255] {strides = array<i32>} : memref<16x1024xf32, #tpu.memory_space<vmem>>, vector<1x16xf32>,
        %parallel_loop3A_257 = vector.shape_cast %parallel_loop3A_256 : vector<1x16xf32> to vector<16xf32>
        %parallel_loop3A_258 = vector.shape_cast %parallel_loop3A_252 : vector<16xf32> to vector<1x16xf32>
        tpu.vector_store %arg12[%parallel_loop3A_254, %parallel_loop3A_255], %parallel_loop3A_258 {strides = array<i32>} : memref<16x1024xf32, #tpu.memory_space<vmem>>, vector<1x16xf32>,
        %parallel_loop3A_259 = arith.shli %broadcast_in_dim3A_146, %parallel_loop3A_204 : vector<16xi32>
        %parallel_loop3A_260 = arith.constant 3 : i32
        %parallel_loop3A_261 = arith.index_cast %parallel_loop3A_260 : i32 to index
        %parallel_loop3A_262 = arith.index_cast %parallel_loop3A_201 : i32 to index
        %parallel_loop3A_263 = tpu.vector_load %arg11[%parallel_loop3A_261, %parallel_loop3A_262] {strides = array<i32>} : memref<16x1024xf32, #tpu.memory_space<vmem>>, vector<1x16xf32>,
        %parallel_loop3A_264 = vector.shape_cast %parallel_loop3A_263 : vector<1x16xf32> to vector<16xf32>
        %parallel_loop3A_265 = arith.constant 0 : i32
        %parallel_loop3A_266 = vector.broadcast %parallel_loop3A_265 : i32 to vector<16xi32>
        %parallel_loop3A_267 = arith.cmpi slt, %parallel_loop3A_259, %parallel_loop3A_266 : vector<16xi32>
        %parallel_loop3A_268 = arith.constant 0.000000e+00 : f32
        %parallel_loop3A_269 = vector.broadcast %parallel_loop3A_268 : f32 to vector<16xf32>
        %parallel_loop3A_270 = arith.select %parallel_loop3A_267, %parallel_loop3A_264, %parallel_loop3A_269 : vector<16xi1>, vector<16xf32>
        %parallel_loop3A_271 = arith.constant 3 : i32
        %parallel_loop3A_272 = arith.index_cast %parallel_loop3A_271 : i32 to index
        %parallel_loop3A_273 = arith.index_cast %parallel_loop3A_201 : i32 to index
        %parallel_loop3A_274 = tpu.vector_load %arg12[%parallel_loop3A_272, %parallel_loop3A_273] {strides = array<i32>} : memref<16x1024xf32, #tpu.memory_space<vmem>>, vector<1x16xf32>,
        %parallel_loop3A_275 = vector.shape_cast %parallel_loop3A_274 : vector<1x16xf32> to vector<16xf32>
        %parallel_loop3A_276 = vector.shape_cast %parallel_loop3A_270 : vector<16xf32> to vector<1x16xf32>
        tpu.vector_store %arg12[%parallel_loop3A_272, %parallel_loop3A_273], %parallel_loop3A_276 {strides = array<i32>} : memref<16x1024xf32, #tpu.memory_space<vmem>>, vector<1x16xf32>,
        %parallel_loop3A_277 = arith.shli %broadcast_in_dim3A_149, %parallel_loop3A_204 : vector<16xi32>
        %parallel_loop3A_278 = arith.constant 4 : i32
        %parallel_loop3A_279 = arith.index_cast %parallel_loop3A_278 : i32 to index
        %parallel_loop3A_280 = arith.index_cast %parallel_loop3A_201 : i32 to index
        %parallel_loop3A_281 = tpu.vector_load %arg11[%parallel_loop3A_279, %parallel_loop3A_280] {strides = array<i32>} : memref<16x1024xf32, #tpu.memory_space<vmem>>, vector<1x16xf32>,
        %parallel_loop3A_282 = vector.shape_cast %parallel_loop3A_281 : vector<1x16xf32> to vector<16xf32>
        %parallel_loop3A_283 = arith.constant 0 : i32
        %parallel_loop3A_284 = vector.broadcast %parallel_loop3A_283 : i32 to vector<16xi32>
        %parallel_loop3A_285 = arith.cmpi slt, %parallel_loop3A_277, %parallel_loop3A_284 : vector<16xi32>
        %parallel_loop3A_286 = arith.constant 0.000000e+00 : f32
        %parallel_loop3A_287 = vector.broadcast %parallel_loop3A_286 : f32 to vector<16xf32>
        %parallel_loop3A_288 = arith.select %parallel_loop3A_285, %parallel_loop3A_282, %parallel_loop3A_287 : vector<16xi1>, vector<16xf32>
        %parallel_loop3A_289 = arith.constant 4 : i32
        %parallel_loop3A_290 = arith.index_cast %parallel_loop3A_289 : i32 to index
        %parallel_loop3A_291 = arith.index_cast %parallel_loop3A_201 : i32 to index
        %parallel_loop3A_292 = tpu.vector_load %arg12[%parallel_loop3A_290, %parallel_loop3A_291] {strides = array<i32>} : memref<16x1024xf32, #tpu.memory_space<vmem>>, vector<1x16xf32>,
        %parallel_loop3A_293 = vector.shape_cast %parallel_loop3A_292 : vector<1x16xf32> to vector<16xf32>
        %parallel_loop3A_294 = vector.shape_cast %parallel_loop3A_288 : vector<16xf32> to vector<1x16xf32>
        tpu.vector_store %arg12[%parallel_loop3A_290, %parallel_loop3A_291], %parallel_loop3A_294 {strides = array<i32>} : memref<16x1024xf32, #tpu.memory_space<vmem>>, vector<1x16xf32>,
        %parallel_loop3A_295 = arith.shli %broadcast_in_dim3A_152, %parallel_loop3A_204 : vector<16xi32>
        %parallel_loop3A_296 = arith.constant 5 : i32
        %parallel_loop3A_297 = arith.index_cast %parallel_loop3A_296 : i32 to index
        %parallel_loop3A_298 = arith.index_cast %parallel_loop3A_201 : i32 to index
        %parallel_loop3A_299 = tpu.vector_load %arg11[%parallel_loop3A_297, %parallel_loop3A_298] {strides = array<i32>} : memref<16x1024xf32, #tpu.memory_space<vmem>>, vector<1x16xf32>,
        %parallel_loop3A_300 = vector.shape_cast %parallel_loop3A_299 : vector<1x16xf32> to vector<16xf32>
        %parallel_loop3A_301 = arith.constant 0 : i32
        %parallel_loop3A_302 = vector.broadcast %parallel_loop3A_301 : i32 to vector<16xi32>
        %parallel_loop3A_303 = arith.cmpi slt, %parallel_loop3A_295, %parallel_loop3A_302 : vector<16xi32>
        %parallel_loop3A_304 = arith.constant 0.000000e+00 : f32
        %parallel_loop3A_305 = vector.broadcast %parallel_loop3A_304 : f32 to vector<16xf32>
        %parallel_loop3A_306 = arith.select %parallel_loop3A_303, %parallel_loop3A_300, %parallel_loop3A_305 : vector<16xi1>, vector<16xf32>
        %parallel_loop3A_307 = arith.constant 5 : i32
        %parallel_loop3A_308 = arith.index_cast %parallel_loop3A_307 : i32 to index
        %parallel_loop3A_309 = arith.index_cast %parallel_loop3A_201 : i32 to index
        %parallel_loop3A_310 = tpu.vector_load %arg12[%parallel_loop3A_308, %parallel_loop3A_309] {strides = array<i32>} : memref<16x1024xf32, #tpu.memory_space<vmem>>, vector<1x16xf32>,
        %parallel_loop3A_311 = vector.shape_cast %parallel_loop3A_310 : vector<1x16xf32> to vector<16xf32>
        %parallel_loop3A_312 = vector.shape_cast %parallel_loop3A_306 : vector<16xf32> to vector<1x16xf32>
        tpu.vector_store %arg12[%parallel_loop3A_308, %parallel_loop3A_309], %parallel_loop3A_312 {strides = array<i32>} : memref<16x1024xf32, #tpu.memory_space<vmem>>, vector<1x16xf32>,
        %parallel_loop3A_313 = arith.shli %broadcast_in_dim3A_155, %parallel_loop3A_204 : vector<16xi32>
        %parallel_loop3A_314 = arith.constant 6 : i32
        %parallel_loop3A_315 = arith.index_cast %parallel_loop3A_314 : i32 to index
        %parallel_loop3A_316 = arith.index_cast %parallel_loop3A_201 : i32 to index
        %parallel_loop3A_317 = tpu.vector_load %arg11[%parallel_loop3A_315, %parallel_loop3A_316] {strides = array<i32>} : memref<16x1024xf32, #tpu.memory_space<vmem>>, vector<1x16xf32>,
        %parallel_loop3A_318 = vector.shape_cast %parallel_loop3A_317 : vector<1x16xf32> to vector<16xf32>
        %parallel_loop3A_319 = arith.constant 0 : i32
        %parallel_loop3A_320 = vector.broadcast %parallel_loop3A_319 : i32 to vector<16xi32>
        %parallel_loop3A_321 = arith.cmpi slt, %parallel_loop3A_313, %parallel_loop3A_320 : vector<16xi32>
        %parallel_loop3A_322 = arith.constant 0.000000e+00 : f32
        %parallel_loop3A_323 = vector.broadcast %parallel_loop3A_322 : f32 to vector<16xf32>
        %parallel_loop3A_324 = arith.select %parallel_loop3A_321, %parallel_loop3A_318, %parallel_loop3A_323 : vector<16xi1>, vector<16xf32>
        %parallel_loop3A_325 = arith.constant 6 : i32
        %parallel_loop3A_326 = arith.index_cast %parallel_loop3A_325 : i32 to index
        %parallel_loop3A_327 = arith.index_cast %parallel_loop3A_201 : i32 to index
        %parallel_loop3A_328 = tpu.vector_load %arg12[%parallel_loop3A_326, %parallel_loop3A_327] {strides = array<i32>} : memref<16x1024xf32, #tpu.memory_space<vmem>>, vector<1x16xf32>,
        %parallel_loop3A_329 = vector.shape_cast %parallel_loop3A_328 : vector<1x16xf32> to vector<16xf32>
        %parallel_loop3A_330 = vector.shape_cast %parallel_loop3A_324 : vector<16xf32> to vector<1x16xf32>
        tpu.vector_store %arg12[%parallel_loop3A_326, %parallel_loop3A_327], %parallel_loop3A_330 {strides = array<i32>} : memref<16x1024xf32, #tpu.memory_space<vmem>>, vector<1x16xf32>,
        %parallel_loop3A_331 = arith.shli %broadcast_in_dim3A_158, %parallel_loop3A_204 : vector<16xi32>
        %parallel_loop3A_332 = arith.constant 7 : i32
        %parallel_loop3A_333 = arith.index_cast %parallel_loop3A_332 : i32 to index
        %parallel_loop3A_334 = arith.index_cast %parallel_loop3A_201 : i32 to index
        %parallel_loop3A_335 = tpu.vector_load %arg11[%parallel_loop3A_333, %parallel_loop3A_334] {strides = array<i32>} : memref<16x1024xf32, #tpu.memory_space<vmem>>, vector<1x16xf32>,
        %parallel_loop3A_336 = vector.shape_cast %parallel_loop3A_335 : vector<1x16xf32> to vector<16xf32>
        %parallel_loop3A_337 = arith.constant 0 : i32
        %parallel_loop3A_338 = vector.broadcast %parallel_loop3A_337 : i32 to vector<16xi32>
        %parallel_loop3A_339 = arith.cmpi slt, %parallel_loop3A_331, %parallel_loop3A_338 : vector<16xi32>
        %parallel_loop3A_340 = arith.constant 0.000000e+00 : f32
        %parallel_loop3A_341 = vector.broadcast %parallel_loop3A_340 : f32 to vector<16xf32>
        %parallel_loop3A_342 = arith.select %parallel_loop3A_339, %parallel_loop3A_336, %parallel_loop3A_341 : vector<16xi1>, vector<16xf32>
        %parallel_loop3A_343 = arith.constant 7 : i32
        %parallel_loop3A_344 = arith.index_cast %parallel_loop3A_343 : i32 to index
        %parallel_loop3A_345 = arith.index_cast %parallel_loop3A_201 : i32 to index
        %parallel_loop3A_346 = tpu.vector_load %arg12[%parallel_loop3A_344, %parallel_loop3A_345] {strides = array<i32>} : memref<16x1024xf32, #tpu.memory_space<vmem>>, vector<1x16xf32>,
        %parallel_loop3A_347 = vector.shape_cast %parallel_loop3A_346 : vector<1x16xf32> to vector<16xf32>
        %parallel_loop3A_348 = vector.shape_cast %parallel_loop3A_342 : vector<16xf32> to vector<1x16xf32>
        tpu.vector_store %arg12[%parallel_loop3A_344, %parallel_loop3A_345], %parallel_loop3A_348 {strides = array<i32>} : memref<16x1024xf32, #tpu.memory_space<vmem>>, vector<1x16xf32>,
        %parallel_loop3A_349 = arith.shli %broadcast_in_dim3A_161, %parallel_loop3A_204 : vector<16xi32>
        %parallel_loop3A_350 = arith.constant 8 : i32
        %parallel_loop3A_351 = arith.index_cast %parallel_loop3A_350 : i32 to index
        %parallel_loop3A_352 = arith.index_cast %parallel_loop3A_201 : i32 to index
        %parallel_loop3A_353 = tpu.vector_load %arg11[%parallel_loop3A_351, %parallel_loop3A_352] {strides = array<i32>} : memref<16x1024xf32, #tpu.memory_space<vmem>>, vector<1x16xf32>,
        %parallel_loop3A_354 = vector.shape_cast %parallel_loop3A_353 : vector<1x16xf32> to vector<16xf32>
        %parallel_loop3A_355 = arith.constant 0 : i32
        %parallel_loop3A_356 = vector.broadcast %parallel_loop3A_355 : i32 to vector<16xi32>
        %parallel_loop3A_357 = arith.cmpi slt, %parallel_loop3A_349, %parallel_loop3A_356 : vector<16xi32>
        %parallel_loop3A_358 = arith.constant 0.000000e+00 : f32
        %parallel_loop3A_359 = vector.broadcast %parallel_loop3A_358 : f32 to vector<16xf32>
        %parallel_loop3A_360 = arith.select %parallel_loop3A_357, %parallel_loop3A_354, %parallel_loop3A_359 : vector<16xi1>, vector<16xf32>
        %parallel_loop3A_361 = arith.constant 8 : i32
        %parallel_loop3A_362 = arith.index_cast %parallel_loop3A_361 : i32 to index
        %parallel_loop3A_363 = arith.index_cast %parallel_loop3A_201 : i32 to index
        %parallel_loop3A_364 = tpu.vector_load %arg12[%parallel_loop3A_362, %parallel_loop3A_363] {strides = array<i32>} : memref<16x1024xf32, #tpu.memory_space<vmem>>, vector<1x16xf32>,
        %parallel_loop3A_365 = vector.shape_cast %parallel_loop3A_364 : vector<1x16xf32> to vector<16xf32>
        %parallel_loop3A_366 = vector.shape_cast %parallel_loop3A_360 : vector<16xf32> to vector<1x16xf32>
        tpu.vector_store %arg12[%parallel_loop3A_362, %parallel_loop3A_363], %parallel_loop3A_366 {strides = array<i32>} : memref<16x1024xf32, #tpu.memory_space<vmem>>, vector<1x16xf32>,
        %parallel_loop3A_367 = arith.shli %broadcast_in_dim3A_164, %parallel_loop3A_204 : vector<16xi32>
        %parallel_loop3A_368 = arith.constant 9 : i32
        %parallel_loop3A_369 = arith.index_cast %parallel_loop3A_368 : i32 to index
        %parallel_loop3A_370 = arith.index_cast %parallel_loop3A_201 : i32 to index
        %parallel_loop3A_371 = tpu.vector_load %arg11[%parallel_loop3A_369, %parallel_loop3A_370] {strides = array<i32>} : memref<16x1024xf32, #tpu.memory_space<vmem>>, vector<1x16xf32>,
        %parallel_loop3A_372 = vector.shape_cast %parallel_loop3A_371 : vector<1x16xf32> to vector<16xf32>
        %parallel_loop3A_373 = arith.constant 0 : i32
        %parallel_loop3A_374 = vector.broadcast %parallel_loop3A_373 : i32 to vector<16xi32>
        %parallel_loop3A_375 = arith.cmpi slt, %parallel_loop3A_367, %parallel_loop3A_374 : vector<16xi32>
        %parallel_loop3A_376 = arith.constant 0.000000e+00 : f32
        %parallel_loop3A_377 = vector.broadcast %parallel_loop3A_376 : f32 to vector<16xf32>
        %parallel_loop3A_378 = arith.select %parallel_loop3A_375, %parallel_loop3A_372, %parallel_loop3A_377 : vector<16xi1>, vector<16xf32>
        %parallel_loop3A_379 = arith.constant 9 : i32
        %parallel_loop3A_380 = arith.index_cast %parallel_loop3A_379 : i32 to index
        %parallel_loop3A_381 = arith.index_cast %parallel_loop3A_201 : i32 to index
        %parallel_loop3A_382 = tpu.vector_load %arg12[%parallel_loop3A_380, %parallel_loop3A_381] {strides = array<i32>} : memref<16x1024xf32, #tpu.memory_space<vmem>>, vector<1x16xf32>,
        %parallel_loop3A_383 = vector.shape_cast %parallel_loop3A_382 : vector<1x16xf32> to vector<16xf32>
        %parallel_loop3A_384 = vector.shape_cast %parallel_loop3A_378 : vector<16xf32> to vector<1x16xf32>
        tpu.vector_store %arg12[%parallel_loop3A_380, %parallel_loop3A_381], %parallel_loop3A_384 {strides = array<i32>} : memref<16x1024xf32, #tpu.memory_space<vmem>>, vector<1x16xf32>,
        %parallel_loop3A_385 = arith.shli %broadcast_in_dim3A_167, %parallel_loop3A_204 : vector<16xi32>
        %parallel_loop3A_386 = arith.constant 10 : i32
        %parallel_loop3A_387 = arith.index_cast %parallel_loop3A_386 : i32 to index
        %parallel_loop3A_388 = arith.index_cast %parallel_loop3A_201 : i32 to index
        %parallel_loop3A_389 = tpu.vector_load %arg11[%parallel_loop3A_387, %parallel_loop3A_388] {strides = array<i32>} : memref<16x1024xf32, #tpu.memory_space<vmem>>, vector<1x16xf32>,
        %parallel_loop3A_390 = vector.shape_cast %parallel_loop3A_389 : vector<1x16xf32> to vector<16xf32>
        %parallel_loop3A_391 = arith.constant 0 : i32
        %parallel_loop3A_392 = vector.broadcast %parallel_loop3A_391 : i32 to vector<16xi32>
        %parallel_loop3A_393 = arith.cmpi slt, %parallel_loop3A_385, %parallel_loop3A_392 : vector<16xi32>
        %parallel_loop3A_394 = arith.constant 0.000000e+00 : f32
        %parallel_loop3A_395 = vector.broadcast %parallel_loop3A_394 : f32 to vector<16xf32>
        %parallel_loop3A_396 = arith.select %parallel_loop3A_393, %parallel_loop3A_390, %parallel_loop3A_395 : vector<16xi1>, vector<16xf32>
        %parallel_loop3A_397 = arith.constant 10 : i32
        %parallel_loop3A_398 = arith.index_cast %parallel_loop3A_397 : i32 to index
        %parallel_loop3A_399 = arith.index_cast %parallel_loop3A_201 : i32 to index
        %parallel_loop3A_400 = tpu.vector_load %arg12[%parallel_loop3A_398, %parallel_loop3A_399] {strides = array<i32>} : memref<16x1024xf32, #tpu.memory_space<vmem>>, vector<1x16xf32>,
        %parallel_loop3A_401 = vector.shape_cast %parallel_loop3A_400 : vector<1x16xf32> to vector<16xf32>
        %parallel_loop3A_402 = vector.shape_cast %parallel_loop3A_396 : vector<16xf32> to vector<1x16xf32>
        tpu.vector_store %arg12[%parallel_loop3A_398, %parallel_loop3A_399], %parallel_loop3A_402 {strides = array<i32>} : memref<16x1024xf32, #tpu.memory_space<vmem>>, vector<1x16xf32>,
        %parallel_loop3A_403 = arith.shli %broadcast_in_dim3A_170, %parallel_loop3A_204 : vector<16xi32>
        %parallel_loop3A_404 = arith.constant 11 : i32
        %parallel_loop3A_405 = arith.index_cast %parallel_loop3A_404 : i32 to index
        %parallel_loop3A_406 = arith.index_cast %parallel_loop3A_201 : i32 to index
        %parallel_loop3A_407 = tpu.vector_load %arg11[%parallel_loop3A_405, %parallel_loop3A_406] {strides = array<i32>} : memref<16x1024xf32, #tpu.memory_space<vmem>>, vector<1x16xf32>,
        %parallel_loop3A_408 = vector.shape_cast %parallel_loop3A_407 : vector<1x16xf32> to vector<16xf32>
        %parallel_loop3A_409 = arith.constant 0 : i32
        %parallel_loop3A_410 = vector.broadcast %parallel_loop3A_409 : i32 to vector<16xi32>
        %parallel_loop3A_411 = arith.cmpi slt, %parallel_loop3A_403, %parallel_loop3A_410 : vector<16xi32>
        %parallel_loop3A_412 = arith.constant 0.000000e+00 : f32
        %parallel_loop3A_413 = vector.broadcast %parallel_loop3A_412 : f32 to vector<16xf32>
        %parallel_loop3A_414 = arith.select %parallel_loop3A_411, %parallel_loop3A_408, %parallel_loop3A_413 : vector<16xi1>, vector<16xf32>
        %parallel_loop3A_415 = arith.constant 11 : i32
        %parallel_loop3A_416 = arith.index_cast %parallel_loop3A_415 : i32 to index
        %parallel_loop3A_417 = arith.index_cast %parallel_loop3A_201 : i32 to index
        %parallel_loop3A_418 = tpu.vector_load %arg12[%parallel_loop3A_416, %parallel_loop3A_417] {strides = array<i32>} : memref<16x1024xf32, #tpu.memory_space<vmem>>, vector<1x16xf32>,
        %parallel_loop3A_419 = vector.shape_cast %parallel_loop3A_418 : vector<1x16xf32> to vector<16xf32>
        %parallel_loop3A_420 = vector.shape_cast %parallel_loop3A_414 : vector<16xf32> to vector<1x16xf32>
        tpu.vector_store %arg12[%parallel_loop3A_416, %parallel_loop3A_417], %parallel_loop3A_420 {strides = array<i32>} : memref<16x1024xf32, #tpu.memory_space<vmem>>, vector<1x16xf32>,
        %parallel_loop3A_421 = arith.shli %broadcast_in_dim3A_173, %parallel_loop3A_204 : vector<16xi32>
        %parallel_loop3A_422 = arith.constant 12 : i32
        %parallel_loop3A_423 = arith.index_cast %parallel_loop3A_422 : i32 to index
        %parallel_loop3A_424 = arith.index_cast %parallel_loop3A_201 : i32 to index
        %parallel_loop3A_425 = tpu.vector_load %arg11[%parallel_loop3A_423, %parallel_loop3A_424] {strides = array<i32>} : memref<16x1024xf32, #tpu.memory_space<vmem>>, vector<1x16xf32>,
        %parallel_loop3A_426 = vector.shape_cast %parallel_loop3A_425 : vector<1x16xf32> to vector<16xf32>
        %parallel_loop3A_427 = arith.constant 0 : i32
        %parallel_loop3A_428 = vector.broadcast %parallel_loop3A_427 : i32 to vector<16xi32>
        %parallel_loop3A_429 = arith.cmpi slt, %parallel_loop3A_421, %parallel_loop3A_428 : vector<16xi32>
        %parallel_loop3A_430 = arith.constant 0.000000e+00 : f32
        %parallel_loop3A_431 = vector.broadcast %parallel_loop3A_430 : f32 to vector<16xf32>
        %parallel_loop3A_432 = arith.select %parallel_loop3A_429, %parallel_loop3A_426, %parallel_loop3A_431 : vector<16xi1>, vector<16xf32>
        %parallel_loop3A_433 = arith.constant 12 : i32
        %parallel_loop3A_434 = arith.index_cast %parallel_loop3A_433 : i32 to index
        %parallel_loop3A_435 = arith.index_cast %parallel_loop3A_201 : i32 to index
        %parallel_loop3A_436 = tpu.vector_load %arg12[%parallel_loop3A_434, %parallel_loop3A_435] {strides = array<i32>} : memref<16x1024xf32, #tpu.memory_space<vmem>>, vector<1x16xf32>,
        %parallel_loop3A_437 = vector.shape_cast %parallel_loop3A_436 : vector<1x16xf32> to vector<16xf32>
        %parallel_loop3A_438 = vector.shape_cast %parallel_loop3A_432 : vector<16xf32> to vector<1x16xf32>
        tpu.vector_store %arg12[%parallel_loop3A_434, %parallel_loop3A_435], %parallel_loop3A_438 {strides = array<i32>} : memref<16x1024xf32, #tpu.memory_space<vmem>>, vector<1x16xf32>,
        %parallel_loop3A_439 = arith.shli %broadcast_in_dim3A_176, %parallel_loop3A_204 : vector<16xi32>
        %parallel_loop3A_440 = arith.constant 13 : i32
        %parallel_loop3A_441 = arith.index_cast %parallel_loop3A_440 : i32 to index
        %parallel_loop3A_442 = arith.index_cast %parallel_loop3A_201 : i32 to index
        %parallel_loop3A_443 = tpu.vector_load %arg11[%parallel_loop3A_441, %parallel_loop3A_442] {strides = array<i32>} : memref<16x1024xf32, #tpu.memory_space<vmem>>, vector<1x16xf32>,
        %parallel_loop3A_444 = vector.shape_cast %parallel_loop3A_443 : vector<1x16xf32> to vector<16xf32>
        %parallel_loop3A_445 = arith.constant 0 : i32
        %parallel_loop3A_446 = vector.broadcast %parallel_loop3A_445 : i32 to vector<16xi32>
        %parallel_loop3A_447 = arith.cmpi slt, %parallel_loop3A_439, %parallel_loop3A_446 : vector<16xi32>
        %parallel_loop3A_448 = arith.constant 0.000000e+00 : f32
        %parallel_loop3A_449 = vector.broadcast %parallel_loop3A_448 : f32 to vector<16xf32>
        %parallel_loop3A_450 = arith.select %parallel_loop3A_447, %parallel_loop3A_444, %parallel_loop3A_449 : vector<16xi1>, vector<16xf32>
        %parallel_loop3A_451 = arith.constant 13 : i32
        %parallel_loop3A_452 = arith.index_cast %parallel_loop3A_451 : i32 to index
        %parallel_loop3A_453 = arith.index_cast %parallel_loop3A_201 : i32 to index
        %parallel_loop3A_454 = tpu.vector_load %arg12[%parallel_loop3A_452, %parallel_loop3A_453] {strides = array<i32>} : memref<16x1024xf32, #tpu.memory_space<vmem>>, vector<1x16xf32>,
        %parallel_loop3A_455 = vector.shape_cast %parallel_loop3A_454 : vector<1x16xf32> to vector<16xf32>
        %parallel_loop3A_456 = vector.shape_cast %parallel_loop3A_450 : vector<16xf32> to vector<1x16xf32>
        tpu.vector_store %arg12[%parallel_loop3A_452, %parallel_loop3A_453], %parallel_loop3A_456 {strides = array<i32>} : memref<16x1024xf32, #tpu.memory_space<vmem>>, vector<1x16xf32>,
        %parallel_loop3A_457 = arith.shli %broadcast_in_dim3A_179, %parallel_loop3A_204 : vector<16xi32>
        %parallel_loop3A_458 = arith.constant 14 : i32
        %parallel_loop3A_459 = arith.index_cast %parallel_loop3A_458 : i32 to index
        %parallel_loop3A_460 = arith.index_cast %parallel_loop3A_201 : i32 to index
        %parallel_loop3A_461 = tpu.vector_load %arg11[%parallel_loop3A_459, %parallel_loop3A_460] {strides = array<i32>} : memref<16x1024xf32, #tpu.memory_space<vmem>>, vector<1x16xf32>,
        %parallel_loop3A_462 = vector.shape_cast %parallel_loop3A_461 : vector<1x16xf32> to vector<16xf32>
        %parallel_loop3A_463 = arith.constant 0 : i32
        %parallel_loop3A_464 = vector.broadcast %parallel_loop3A_463 : i32 to vector<16xi32>
        %parallel_loop3A_465 = arith.cmpi slt, %parallel_loop3A_457, %parallel_loop3A_464 : vector<16xi32>
        %parallel_loop3A_466 = arith.constant 0.000000e+00 : f32
        %parallel_loop3A_467 = vector.broadcast %parallel_loop3A_466 : f32 to vector<16xf32>
        %parallel_loop3A_468 = arith.select %parallel_loop3A_465, %parallel_loop3A_462, %parallel_loop3A_467 : vector<16xi1>, vector<16xf32>
        %parallel_loop3A_469 = arith.constant 14 : i32
        %parallel_loop3A_470 = arith.index_cast %parallel_loop3A_469 : i32 to index
        %parallel_loop3A_471 = arith.index_cast %parallel_loop3A_201 : i32 to index
        %parallel_loop3A_472 = tpu.vector_load %arg12[%parallel_loop3A_470, %parallel_loop3A_471] {strides = array<i32>} : memref<16x1024xf32, #tpu.memory_space<vmem>>, vector<1x16xf32>,
        %parallel_loop3A_473 = vector.shape_cast %parallel_loop3A_472 : vector<1x16xf32> to vector<16xf32>
        %parallel_loop3A_474 = vector.shape_cast %parallel_loop3A_468 : vector<16xf32> to vector<1x16xf32>
        tpu.vector_store %arg12[%parallel_loop3A_470, %parallel_loop3A_471], %parallel_loop3A_474 {strides = array<i32>} : memref<16x1024xf32, #tpu.memory_space<vmem>>, vector<1x16xf32>,
        %parallel_loop3A_475 = arith.shli %broadcast_in_dim3A_182, %parallel_loop3A_204 : vector<16xi32>
        %parallel_loop3A_476 = arith.constant 15 : i32
        %parallel_loop3A_477 = arith.index_cast %parallel_loop3A_476 : i32 to index
        %parallel_loop3A_478 = arith.index_cast %parallel_loop3A_201 : i32 to index
        %parallel_loop3A_479 = tpu.vector_load %arg11[%parallel_loop3A_477, %parallel_loop3A_478] {strides = array<i32>} : memref<16x1024xf32, #tpu.memory_space<vmem>>, vector<1x16xf32>,
        %parallel_loop3A_480 = vector.shape_cast %parallel_loop3A_479 : vector<1x16xf32> to vector<16xf32>
        %parallel_loop3A_481 = arith.constant 0 : i32
        %parallel_loop3A_482 = vector.broadcast %parallel_loop3A_481 : i32 to vector<16xi32>
        %parallel_loop3A_483 = arith.cmpi slt, %parallel_loop3A_475, %parallel_loop3A_482 : vector<16xi32>
        %parallel_loop3A_484 = arith.constant 0.000000e+00 : f32
        %parallel_loop3A_485 = vector.broadcast %parallel_loop3A_484 : f32 to vector<16xf32>
        %parallel_loop3A_486 = arith.select %parallel_loop3A_483, %parallel_loop3A_480, %parallel_loop3A_485 : vector<16xi1>, vector<16xf32>
        %parallel_loop3A_487 = arith.constant 15 : i32
        %parallel_loop3A_488 = arith.index_cast %parallel_loop3A_487 : i32 to index
        %parallel_loop3A_489 = arith.index_cast %parallel_loop3A_201 : i32 to index
        %parallel_loop3A_490 = tpu.vector_load %arg12[%parallel_loop3A_488, %parallel_loop3A_489] {strides = array<i32>} : memref<16x1024xf32, #tpu.memory_space<vmem>>, vector<1x16xf32>,
        %parallel_loop3A_491 = vector.shape_cast %parallel_loop3A_490 : vector<1x16xf32> to vector<16xf32>
        %parallel_loop3A_492 = vector.shape_cast %parallel_loop3A_486 : vector<16xf32> to vector<1x16xf32>
        tpu.vector_store %arg12[%parallel_loop3A_488, %parallel_loop3A_489], %parallel_loop3A_492 {strides = array<i32>} : memref<16x1024xf32, #tpu.memory_space<vmem>>, vector<1x16xf32>,
      } {sc.loop_unroll_factor = 1 : i64, sc.parallel_access}
      %mul3A_186 = arith.constant 16 : i32
      %mul3A_187 = arith.muli %add3A_118, %mul3A_186 : i32
      %add3A_188 = arith.addi %min3A_3, %mul3A_187 : i32
      %dma_start3A_189 = arith.constant 0 : i32
      %dma_start3A_190 = tpu.memref_slice %arg5[%add3A_188, %dma_start3A_189] : memref<100000x1024xf32, #tpu.memory_space<hbm>> -> memref<16x1024xf32, #tpu.memory_space<hbm>>
      %dma_start3A_191 = arith.constant 0 : i32
      %dma_start3A_192 = tpu.memref_slice %arg5[%add3A_188, %dma_start3A_191] : memref<100000x1024xf32, #tpu.memory_space<hbm>> -> memref<16x1024xf32, #tpu.memory_space<hbm>>
      tpu.enqueue_dma source(%arg12 : memref<16x1024xf32, #tpu.memory_space<vmem>>) target(%dma_start3A_192 : memref<16x1024xf32, #tpu.memory_space<hbm>>) target_semaphore(%arg16 : memref<!tpu.dma_semaphore, #tpu.memory_space<semaphore_mem>>)
      %lt3A_193 = arith.constant 97 : i32
      %lt3A_194 = arith.cmpi slt, %scan3A_39, %lt3A_193 : i32
      %convert_element_type3A_195 = arith.extui %lt3A_194 : i1 to i32
      %cond3A_196 = arith.constant 0 : i32
      %cond3A_197 = arith.cmpi ne, %convert_element_type3A_195, %cond3A_196 : i32
      scf.if %cond3A_197 {
        %add3A_199 = arith.constant 2 : i32
        %add3A_200 = arith.addi %add3A_118, %add3A_199 : i32
        %mul3A_201 = arith.constant 16 : i32
        %mul3A_202 = arith.muli %add3A_200, %mul3A_201 : i32
        %add3A_203 = arith.addi %min3A_3, %mul3A_202 : i32
        %dma_start3A_204 = arith.constant 0 : i32
        %dma_start3A_205 = tpu.memref_slice %arg2[%add3A_203, %dma_start3A_204] : memref<100000x1024xf32, #tpu.memory_space<hbm>> -> memref<16x1024xf32, #tpu.memory_space<hbm>>
        %dma_start3A_206 = arith.constant 0 : i32
        %dma_start3A_207 = tpu.memref_slice %arg2[%add3A_203, %dma_start3A_206] : memref<100000x1024xf32, #tpu.memory_space<hbm>> -> memref<16x1024xf32, #tpu.memory_space<hbm>>
        tpu.enqueue_dma source(%dma_start3A_207 : memref<16x1024xf32, #tpu.memory_space<hbm>>) target(%arg11 : memref<16x1024xf32, #tpu.memory_space<vmem>>) target_semaphore(%arg15 : memref<!tpu.dma_semaphore, #tpu.memory_space<semaphore_mem>>)
      } else {
      }
      %scan3A_198 = arith.constant 0 : i32
      scf.yield %scan3A_198 : i32
    }
    %scan3A_27 = arith.constant 98 : i32
    %dma_wait3A = arith.constant 0 : i32
    %dma_wait3A_28 = arith.constant 0 : i32
    %dma_wait3A_29 = tpu.memref_slice %arg5[%dma_wait3A, %dma_wait3A_28] : memref<100000x1024xf32, #tpu.memory_space<hbm>> -> memref<16x1024xf32, #tpu.memory_space<hbm>>
    %dma_wait3A_30 = arith.constant 0 : i32
    %dma_wait3A_31 = arith.constant 0 : i32
    %dma_wait3A_32 = tpu.memref_slice %arg5[%dma_wait3A_30, %dma_wait3A_31] : memref<100000x1024xf32, #tpu.memory_space<hbm>> -> memref<16x1024xf32, #tpu.memory_space<hbm>>
    tpu.wait_dma2 semaphore(%arg14 : memref<!tpu.dma_semaphore, #tpu.memory_space<semaphore_mem>>) src(%arg10 : memref<16x1024xf32, #tpu.memory_space<vmem>>) dst(%dma_wait3A_32 : memref<16x1024xf32, #tpu.memory_space<hbm>>)
    %dma_wait3A_33 = arith.constant 0 : i32
    %dma_wait3A_34 = arith.constant 0 : i32
    %dma_wait3A_35 = tpu.memref_slice %arg5[%dma_wait3A_33, %dma_wait3A_34] : memref<100000x1024xf32, #tpu.memory_space<hbm>> -> memref<16x1024xf32, #tpu.memory_space<hbm>>
    %dma_wait3A_36 = arith.constant 0 : i32
    %dma_wait3A_37 = arith.constant 0 : i32
    %dma_wait3A_38 = tpu.memref_slice %arg5[%dma_wait3A_36, %dma_wait3A_37] : memref<100000x1024xf32, #tpu.memory_space<hbm>> -> memref<16x1024xf32, #tpu.memory_space<hbm>>
    tpu.wait_dma2 semaphore(%arg16 : memref<!tpu.dma_semaphore, #tpu.memory_space<semaphore_mem>>) src(%arg12 : memref<16x1024xf32, #tpu.memory_space<vmem>>) dst(%dma_wait3A_38 : memref<16x1024xf32, #tpu.memory_space<hbm>>)
    return
  }
}

</mosaic_0001>

<sc_bundles>
// kernel: kernel.3.cloned.1.call-start
scs
__scs_entry_jumppad:
0x0: {  	(pc) =	sbr.rel $0x88, $3  }
0x1: {  	(tag) =	ssettag $0x0;
	lr =	simm.s32 $0x1  }
0x2: {  	[smem:$0x3F9E] =	sst lr;
	_ =	strace $0xD0000000  }
0x3: {  	_ = 	snop  }
0x4: {  	_ = 	snop  }
0x5: {  	_ = 	snop  }
0x6: {  	_ = 	snop  }
0x7: {  	_ = 	snop  }
__scs_overlays_trampoline_lowered:
0x8: {  	[smem:$0x3FAD] =	sst s0  }
0x9: {  	[smem:$0x3FAE] =	sst s1  }
0xa: {  	[smem:$0x3FAF] =	sst s2  }
0xb: {  	[smem:$0x3FB0] =	sst s3  }
0xc: {  	[smem:$0x3FB1] =	sst s4  }
0xd: {  	[smem:$0x3FB2] =	sst s5  }
0xe: {  	[smem:$0x3FB3] =	sst s6  }
0xf: {  	[smem:$0x3FB4] =	sst s7  }
0x10: {  	[smem:$0x3FB5] =	sst s8  }
0x11: {  	[smem:$0x3FB6] =	sst s9;
	s0 =	simm.s32 @!p0 $0x0  }
0x12: {  	s1 =	sld [smem:$0x3F9C];
	s0 =	simm.s32 @p0 $0x1  }
0x13: {  	[smem:$0x3FB7] =	sst s0;
	s0 =	simm.s32 @!p1 $0x0  }
0x14: {  	s2 =	sld [smem:$0x3F9B];
	s0 =	simm.s32 @p1 $0x1  }
0x15: {  	[smem:$0x3FB8] =	sst s0;
	s0 =	simm.s32 @!p2 $0x0  }
0x16: {  	s3 =	sld [smem:$0x3FDB];
	s0 =	simm.s32 @p2 $0x1  }
0x17: {  	s4 =	simm.s32 $0x1BF5;
	[smem:$0x3FBA] =	sst s0  }
0x18: {  	s0 =	sld [smem:$0x3F9D];
	_ =	swait.ge [sflag:s4], $0x0  }
0x19: {  	s7 =	sld [smem:$0x3F9E]  }
0x1a: {  	s8 =	sadd.s32 $0xFFFFE003, lr  }
0x1b: {  	s9 =	sadd.s32 $0xFFFFFEF7, lr;
	s5 =	simm.s32 $0xFFFFFFFF;
	p2 =	slt.u32 s8, $0xFFFFF086  }
0x1c: {  	p1 =	slt.u32 s9, $0xF7A;
	s5 =	simm.s32 @!p2 $0x0  }
0x1d: {  	s5 =	simm.s32 @p1 $0x1;
	p0 =	seq.s32 s7, s2  }
0x1e: {  	s7 =	smul.u32 @!p0 $0xF7A, s2;
	p2 =	seq.s32 @!p0 s5, $0x0  }
0x1f: {  	s9 =	smul.u32 $0xF7A, s1;
	s8 =	simm.s32 @!p0 $0x1BF5;
	p2 =	por !p2, p0  }
0x20: {  	[sflag:s8] =	ssyncset.s32 @!p0 $0xFFFFF086;
	s6 =	sadd.s32 @!p0 s3, s7;
	s7 =	simm.s32 @!p0 $0x108  }
0x21: {  	s3 =	sadd.s32 s3, s9;
	s6 =	sadd.s32 @!p0 $0x88, s6;
	s7 =	simm.s32 @p2 $0x1082  }
0x22: {  	[simem:s7], [sflag:s8] =	dma.local @!p0 [hbm:s6], $0xF7A  }
0x23: {  	s9 =	sor.u32 $0xD0000000, s2;
	s6 =	simm.s32 $0x108;
	_ =	swait.ge @!p0 [sflag:s8], $0x0  }
0x24: {  	s3 =	sadd.s32 $0x88, s3;
	s6 =	simm.s32 @!p1 $0x1082;
	[sflag:s4] =	ssyncset.s32 $0xFFFFF086  }
0x25: {  	[simem:s6], [sflag:s4] =	dma.local [hbm:s3], $0xF7A  }
0x26: {  	[smem:$0x3F9E] =	sst s1;
	(tag) =	ssettag s2;
	_ =	strace s9  }
0x27: {  	s1 =	sld [smem:$0x3FAE]  }
0x28: {  	s2 =	sld [smem:$0x3FAF]  }
0x29: {  	s4 =	sld [smem:$0x3FB1]  }
0x2a: {  	p0 =	seq.s32 s5, $0x0;
	s5 =	sld [smem:$0x3FB2]  }
0x2b: {  	s6 =	sld [smem:$0x3FB3]  }
0x2c: {  	s7 =	sld [smem:$0x3FB4]  }
0x2d: {  	s3 =	simm.s32 $0x108;
	s8 =	sld [smem:$0x3FB5]  }
0x2e: {  	s3 =	simm.s32 @!p0 $0x1082;
	s9 =	sld [smem:$0x3FB6]  }
0x2f: {  	lr =	sadd.s32 s0, s3;
	s0 =	sld [smem:$0x3FAD]  }
0x30: {  	s3 =	sld [smem:$0x3FB0]  }
0x31: {  	[smem:$0x3FB9] =	sst s10  }
0x32: {  	s10 =	sld [smem:$0x3FB7];
	_ =	sdelay $0x3  }
0x33: {  	p0 =	seq.s32 s10, $0x1;
	s10 =	sld [smem:$0x3FB9];
	_ =	sdelay $0x3  }
0x34: {  	[smem:$0x3FB9] =	sst s10  }
0x35: {  	s10 =	sld [smem:$0x3FB8];
	_ =	sdelay $0x3  }
0x36: {  	p1 =	seq.s32 s10, $0x1;
	s10 =	sld [smem:$0x3FB9];
	_ =	sdelay $0x3  }
0x37: {  	[smem:$0x3FB9] =	sst s10  }
0x38: {  	s10 =	sld [smem:$0x3FBA]  }
0x39: {  	_ = 	snop;
	(pc) =	sbr.ind lr, $3  }
0x3a: {  	_ = 	snop  }
0x3b: {  	_ = 	snop  }
0x3c: {  	p2 =	seq.s32 s10, $0x1;
	s10 =	sld [smem:$0x3FB9]  }
0x3d: {  	_ =	shalt  }
0x3e: {  	_ =	shalt  }
0x3f: {  	_ =	shalt  }
0x40: {  	_ =	shalt  }
0x41: {  	_ =	shalt  }
0x42: {  	_ =	shalt  }
0x43: {  	_ =	shalt  }
0x44: {  	_ =	shalt  }
0x45: {  	_ =	shalt  }
0x46: {  	_ =	shalt  }
0x47: {  	_ =	shalt  }
0x48: {  	_ =	shalt  }
0x49: {  	_ =	shalt  }
0x4a: {  	_ =	shalt  }
0x4b: {  	_ =	shalt  }
0x4c: {  	_ =	shalt  }
0x4d: {  	_ =	shalt  }
0x4e: {  	_ =	shalt  }
0x4f: {  	_ =	shalt  }
0x50: {  	_ =	shalt  }
0x51: {  	_ =	shalt  }
0x52: {  	_ =	shalt  }
0x53: {  	_ =	shalt  }
0x54: {  	_ =	shalt  }
0x55: {  	_ =	shalt  }
0x56: {  	_ =	shalt  }
0x57: {  	_ =	shalt  }
0x58: {  	_ =	shalt  }
0x59: {  	_ =	shalt  }
0x5a: {  	_ =	shalt  }
0x5b: {  	_ =	shalt  }
0x5c: {  	_ =	shalt  }
0x5d: {  	_ =	shalt  }
0x5e: {  	_ =	shalt  }
0x5f: {  	_ =	shalt  }
0x60: {  	_ =	shalt  }
0x61: {  	_ =	shalt  }
0x62: {  	_ =	shalt  }
0x63: {  	_ =	shalt  }
0x64: {  	_ =	shalt  }
0x65: {  	_ =	shalt  }
0x66: {  	_ =	shalt  }
0x67: {  	_ =	shalt  }
0x68: {  	_ =	shalt  }
0x69: {  	_ =	shalt  }
0x6a: {  	_ =	shalt  }
0x6b: {  	_ =	shalt  }
0x6c: {  	_ =	shalt  }
0x6d: {  	_ =	shalt  }
0x6e: {  	_ =	shalt  }
0x6f: {  	_ =	shalt  }
0x70: {  	_ =	shalt  }
0x71: {  	_ =	shalt  }
0x72: {  	_ =	shalt  }
0x73: {  	_ =	shalt  }
0x74: {  	_ =	shalt  }
0x75: {  	_ =	shalt  }
0x76: {  	_ =	shalt  }
0x77: {  	_ =	shalt  }
0x78: {  	_ =	shalt  }
0x79: {  	_ =	shalt  }
0x7a: {  	_ =	shalt  }
0x7b: {  	_ =	shalt  }
0x7c: {  	_ =	shalt  }
0x7d: {  	_ =	shalt  }
0x7e: {  	_ =	shalt  }
0x7f: {  	_ =	shalt  }
0x80: {  	_ =	shalt  }
0x81: {  	_ =	shalt  }
0x82: {  	_ =	shalt  }
0x83: {  	_ =	shalt  }
0x84: {  	_ =	shalt  }
0x85: {  	_ =	shalt  }
0x86: {  	_ =	shalt  }
0x87: {  	_ =	shalt  }
.Lfunc_end0:
.L_simem_size_0:
called_computation_lowered:
.L_overlay_start_0:
0x88: {  	s2 =	sld [smem:$0x3FD9]  }
0x89: {  	s3 =	sld [smem:$0x3FFE];
	_ =	sdelay $0x1  }
0x8a: {  	s1 =	srdreg.scid  }
0x8b: {  	s0 =	sand.u32 $0x1, s1  }
0x8c: {  	s17 =	sshll.u32 s0, $0xA;
	s2 =	sadd.s32 s3, s2  }
0x8d: {  	s2 =	sadd.s32 s2, s17  }
0x8e: {  	[smem:$0x3FC5] =	sst s2  }
0x8f: {  	_ = 	snop  }
0x90: {  	s2 =	sld [smem:$0x3FC9]  }
0x91: {  	s18 =	sld [smem:$0x3FC7]  }
0x92: {  	s4 =	sld [smem:$0x3FD0];
	(tm) =	ssettm $0x1  }
0x93: {  	s5 =	sld [smem:$0x3FFB];
	_ =	sdelay $0x3  }
0x94: {  	_ =	strace s5  }
0x95: {  	s5 =	sld [smem:$0x3FFC];
	_ =	sdelay $0x3  }
0x96: {  	_ =	strace s5  }
0x97: {  	s5 =	sld [smem:$0x3FFD];
	_ =	sdelay $0x3  }
0x98: {  	_ =	strace s5  }
0x99: {  	_ =	strace $0x8FFFFFFF  }
0x9a: {  	s19 =	sld [smem:$0x3FDB];
	_ =	sdelay $0x1  }
0x9b: {  	s6 =	simm.s32 $_scs_section_size  }
0x9c: {  	s7 =	simm.s32 $_size__tile_overlayer_lowered;
	s8 =	simm.s32 $_tile_overlayer_lowered  }
0x9d: {  	s22 =	simm.s32 $0x1BFF;
	s21 =	sshll.u32 s8, $0x1;
	s5 =	sadd.s32 s6, s19  }
0x9e: {  	s9 =	simm.s32 $0x0;
	s20 =	sshll.u32 s7, $0x1;
	s7 =	sadd.s32 s21, s5  }
0x9f: {  	[timem:s9], [sflag:s22] =	dma.local [hbm:s7], s20  }
0xa0: {  	_ =	swait.ge [sflag:s22], s20  }
0xa1: {  	s6 =	ssub.s32 $0x0, s20;
	[sflag:s22] =	ssyncset.done $0x0  }
0xa2: {  	[sflag:s22] =	ssyncadd.s32 s6;
	_ =	sdelay $0x1  }
0xa3: {  	s23 =	simm.s32 $0x1B8B  }
0xa4: {  	_ =	swait.ge [sflag:s23], $0x1  }
0xa5: {  	[sflag:s23] =	ssyncset.done $0x0  }
0xa6: {  	s25 =	simm.s32 $0x1B8E;
	s24 =	sld [smem:$0x3FFE];
	[sflag:s23] =	ssyncadd.s32 $0xFFFFFFFF  }
0xa7: {  	s26 =	simm.s32 $execute0_lowered;
	[smem:$0x3FD2] =	sst s25  }
0xa8: {  	s7 =	sshll.u32 s26, $0x1;
	_ =	strace $0x80000046;
	[dreg:$0x1] =	wrdreg $0xFFFFFFFF  }
0xa9: {  	s28 =	simm.s32 $_size_execute0_lowered;
	s5 =	sadd.s32 s5, s7;
	[dreg:$0x0] =	wrdreg $0x0  }
0xaa: {  	s7 =	sshll.u32 s28, $0x1;
	[dreg:$0x2] =	wrdreg s5  }
0xab: {  	[dreg:$0x3] =	wrdreg s7  }
0xac: {  	[dreg:$0x4] =	wrdreg $0xC0  }
0xad: {  	_ =	task [dreg:s9], $0x5FFFF  }
0xae: {  	[dreg:$0x1] =	wrdreg $0xFFFFFFFF  }
0xaf: {  	[dreg:$0x0] =	wrdreg $0x60  }
0xb0: {  	[dreg:$0x2] =	wrdreg s2  }
0xb1: {  	[dreg:$0x3] =	wrdreg s24  }
0xb2: {  	[dreg:$0x4] =	wrdreg s18  }
0xb3: {  	[dreg:$0x5] =	wrdreg s4  }
0xb4: {  	[dreg:$0x6] =	wrdreg $0x9  }
0xb5: {  	_ =	task.clear_ibuf [dreg:s9], $0x7FFFF;
	_ =	strace $0x90000046  }
0xb6: {  	s29 =	simm.s32 $0x9;
	_ =	strace $0x80000048  }
0xb7: {  	_ =	swait.ge [sflag:s29], $0x1  }
0xb8: {  	[sflag:s29] =	ssyncadd.s32 $0xFFFFFFFF  }
0xb9: {  	_ =	strace $0x90000048  }
0xba: {  	_ =	sfence  }
0xbb: {  	s30 =	sld [smem:$0x0];
	_ =	sdelay $0x2  }
0xbc: {  	s31 =	sshll.u32 s1, $0xD;
	s1 =	sshrl.u32 s1, $0x2  }
0xbd: {  	s3 =	sand.u32 $0x4000, s31;
	s1 =	sadd.s32 s1, s30  }
0xbe: {  	s0 =	sor.u32 s3, s0;
	s1 =	sshll.u32 s1, $0x11  }
0xbf: {  	s0 =	sor.u32 s1, s0  }
0xc0: {  	s0 =	sadd.s32 $0x8F2B, s0  }
0xc1: {  	[sflag:s0] =	ssyncadd.remote.s32 $0x1  }
0xc2: {  	_ =	sfence.sel $0xFFFF  }
0xc3: {  	[dreg:$0x0] =	wrdreg $0xFFFFFFFF;
	(pc) =	sbr.abs _section_cstart, $3  }
0xc4: {  	[dreg:$0x1] =	wrdreg $0xFFFFFFFF  }
0xc5: {  	_ =	task.clear_ibuf [dreg:s9], $0x2FFFF;
	_ =	strace $0x9FFFFFFF  }
0xc6: {  	(tm) =	ssettm $0x7FFFFFFF  }
0xc7: {  	_ =	shalt  }
tec
execute0_lowered:
.L_overlay_start_1:
0x0: {  	(tag) =	ssettag $0x1  }
0x1: {  	s1 =	rddreg [dreg:$0x0]  }
0x2: {  	s0 =	rddreg [dreg:$0x1]  }
0x3: {  	s2 =	srdreg.scid;
	s3 =	stileid.u32  }
0x4: {  	s4 =	rddreg [dreg:$0x3];
	s5 =	simm.s32 $0x0;
	s16 =	simm.s32 $0x9480  }
0x5: {  	s17 =	simm.s32 $0x1;
	s2 =	sand.u32 $0x1, s2;
	s3 =	sshll.u32 s3, $0x1  }
0x6: {  	s18 =	simm.s32 $0x5480;
	s19 =	simm.s32 $0x3;
	s3 =	sor.u32 s2, s3  }
0x7: {  	s20 =	simm.s32 $0x4;
	s2 =	ssub.s32 $0x2, s2;
	s3 =	smul.u32 $0xC40, s3  }
0x8: {  	s21 =	simm.s32 $0xD480;
	[smem:$0x7FF] =	sst s5;
	s29 =	sshrl.u32 s2, $0x1  }
0x9: {  	_ =	strace $0x80000047;
	s2 =	ssub.s32 s2, s29;
	s6 =	smin.u32 s3, $0x17A60  }
.Ltmp0:
0xa: {  	s31 =	smax.u32 s2, $0x1;
	s7 =	sshrl.u32 s6, $0x3;
	(pc) =	sbr.rel .LBB2_1-.Ltmp0, $4  }
0xb: {  	s8 =	sshll.u32 s6, $0x7;
	[dreg:$0x8] =	wrdreg s31;
	s0 =	sadd.s32 s0, s7  }
0xc: {  	s24 =	simm.s32 $0x0;
	s30 =	sadd.s32 s1, s8;
	[dreg:$0x5] =	wrdreg s0  }
0xd: {  	s2 =	simm.s32 $0x0;
	[dreg:$0x6] =	wrdreg s30;
	s0 =	sadd.s32 $0x800, s30  }
0xe: {  	s10 =	sadd.s32 $0x20, s6;
	s11 =	sadd.s32 $0x30, s6;
	[dreg:$0x7] =	wrdreg s0  }
.LBB2_14:
0xf: {  	s0 =	simm.s32 $0x2  }
0x10: {  	_ =	swait.ge [sflag:s0], $0x4000  }
0x11: {  	[sflag:s0] =	ssyncset.done $0x0  }
0x12: {  	[sflag:s0] =	ssyncadd.s32 $0xFFFFC000  }
0x13: {  	_ =	swait.ge [sflag:s20], $0x4000  }
0x14: {  	s2 =	rddreg [dreg:$0x9]  }
0x15: {  	s31 =	rddreg [dreg:$0x8];
	s2 =	sadd.s32 $0x1, s2  }
0x16: {  	p0 =	sne.s32 s2, s31  }
.Ltmp1:
0x17: {  	_ = 	snop;
	(pc) =	sbr.rel @!p0 .LBB2_15-.Ltmp1, $3  }
0x18: {  	_ =	sdelay $0x1  }
0x19: {  	[sflag:s20] =	ssyncset.done $0x0  }
0x1a: {  	[sflag:s20] =	ssyncadd.s32 $0xFFFFC000  }
.LBB2_1:
0x1b: {  	[dreg:$0x9] =	wrdreg s2  }
0x1c: {  	s0 =	rddreg [dreg:$0x2];
	s30 =	simm.s32 $0x5  }
0x1d: {  	[tilespmem:s5], [sflag:$0x5] =	stream.linear.gather [hbm4b:s0+s5], $0x400, $0x38;
	[tilespmem:$0x11480] =	vst v63  }
0x1e: {  	_ =	swait.ge [sflag:s30], $0x400  }
0x1f: {  	[sflag:s30] =	ssyncset.done $0x0  }
0x20: {  	s3 =	simm.s32 $0x800;
	s31 =	rddreg [dreg:$0x5];
	[sflag:s30] =	ssyncadd.s32 $0xFFFFFC00  }
0x21: {  	[tilespmem:s3], [sflag:$0x5] =	stream.linear.gather [hbm4b:s31+s5], $0xC40, $0x38;
	[tilespmem:$0x11480] =	vst v63  }
0x22: {  	_ =	swait.ge [sflag:s30], $0xC40  }
0x23: {  	[sflag:s30] =	ssyncset.done $0x0  }
0x24: {  	s0 =	simm.s32 $0x0;
	[sflag:s30] =	ssyncadd.s32 $0xFFFFF3C0  }
0x25: {  	s2 =	simm.s32 $0x40;
	v0 =	vld [tilespmem:s0+$0x0]  }
.LBB2_2:
0x26: {  	p0 =	sne.s32 s2, $0xFC0  }
.Ltmp2:
0x27: {  	_ = 	snop;
	(pc) =	sbr.rel @p0 .LBB2_2-.Ltmp2, $3  }
0x28: {  	_ =	sdelay $0x1  }
0x29: {  	s3 =	sshra.s32 s2, $0x2;
	s2 =	sadd.s32 $0x40, s2;
	v1 =	vsub.s32 $0x20, v0  }
0x2a: {  	v0 =	vld [tilespmem:s3+$0x0];
	[tilespmem:s0+$0x400] =	vst v1;
	s0 =	smov.u32 s3  }
0x2b: {  	_ =	sdelay $0x3  }
0x2c: {  	v0 =	vsub.s32 $0x20, v0  }
0x2d: {  	s30 =	rddreg [dreg:$0x6];
	s2 =	simm.s32 $0x1480;
	[tilespmem:s0+$0x400] =	vst v0  }
0x2e: {  	[tilespmem:s2], [sflag:$0x1] =	stream.linear.gather [hbm4b:s30+s24], $0x4000, $0x38;
	[tilespmem:$0x11480] =	vst v63  }
0x2f: {  	s31 =	rddreg [dreg:$0x7];
	s25 =	simm.s32 $0x0  }
0x30: {  	[tilespmem:s16], [sflag:$0x3] =	stream.linear.gather [hbm4b:s31+s24], $0x4000, $0x38;
	[tilespmem:$0x11480] =	vst v63  }
.LBB2_4:
0x31: {  	_ =	swait.ge [sflag:s17], $0x4000  }
0x32: {  	p0 =	seq.s32 s25, $0x0;
	[sflag:s17] =	ssyncset.done $0x0  }
0x33: {  	s0 =	simm.s32 @!p0 $0x2;
	[sflag:s17] =	ssyncadd.s32 $0xFFFFC000  }
0x34: {  	_ =	swait.ge @!p0 [sflag:s0], $0x4000  }
0x35: {  	[sflag:s0] =	ssyncset.done @!p0 $0x0  }
0x36: {  	s26 =	sshll.u32 s25, $0x5;
	[sflag:s0] =	ssyncadd.s32 @!p0 $0xFFFFC000  }
0x37: {  	v0 =	vld [tilespmem:s26+$0x800];
	_ =	sdelay $0x4  }
0x38: {  	v4 =	vbroadcast v0, $0x0;
	v5 =	vbroadcast v0, $0x1  }
0x39: {  	s13 =	simm.s32 $0x400;
	v6 =	vbroadcast v0, $0x2;
	v7 =	vbroadcast v0, $0x3  }
0x3a: {  	v3 =	vld [tilespmem:s13+$0x0];
	v8 =	vbroadcast v0, $0x4;
	v9 =	vbroadcast v0, $0x5  }
0x3b: {  	v10 =	vbroadcast v0, $0x6;
	v11 =	vbroadcast v0, $0x7  }
0x3c: {  	v1 =	vbroadcast v0, $0x8;
	v12 =	vbroadcast v0, $0x9  }
0x3d: {  	s15 =	simm.s32 $0x410;
	v14 =	vbroadcast v0, $0xA;
	v15 =	vbroadcast v0, $0xC  }
0x3e: {  	v59 =	vld [tilespmem:s15+$0x0];
	v16 =	vbroadcast v0, $0xD;
	v17 =	vbroadcast v0, $0xE  }
0x3f: {  	v2 =	vbroadcast v0, $0xB;
	v0 =	vbroadcast v0, $0xF;
	v29 =	vshll.u32 v11, v3  }
0x40: {  	s14 =	sand.u32 $0x70, s24;
	s2 =	sand.u32 $0x1C00, s24;
	v36 =	vshll.u32 v16, v3;
	v37 =	vshll.u32 v17, v3;
	v23 =	vshll.u32 v15, v3  }
0x41: {  	s28 =	sor.u32 s14, s2;
	v13 =	vshll.u32 v14, v3;
	v20 =	vshll.u32 v12, v3;
	v25 =	vshll.u32 v7, v3  }
0x42: {  	v18 =	vld [tilespmem:s28+$0x1600];
	v26 =	vshll.u32 v9, v3;
	v27 =	vshll.u32 v4, v3;
	v30 =	vshll.u32 v10, v3  }
0x43: {  	v21 =	vld [tilespmem:s28+$0x1700];
	v31 =	vshll.u32 v6, v3;
	v32 =	vshll.u32 v5, v3;
	v40 =	vshll.u32 v15, v59  }
0x44: {  	v28 =	vld [tilespmem:s28+$0x1500];
	v60 =	vshll.u32 v7, v59;
	v41 =	vshll.u32 v9, v59;
	v42 =	vshll.u32 v4, v59  }
0x45: {  	s3 =	simm.s32 $0x10;
	s7 =	simm.s32 $0x80;
	v24 =	vld [tilespmem:s28+$0x1580];
	v43 =	vshll.u32 v10, v59;
	v44 =	vshll.u32 v6, v59;
	v45 =	vshll.u32 v8, v59  }
0x46: {  	s22 =	sand.u32 $0x70, s3;
	s23 =	sand.u32 $0x1C00, s7;
	v19 =	vld [tilespmem:s28+$0x1480];
	vm0 =	vlt.s32 v23, $0x0;
	vm1 =	vlt.s32 v26, $0x0;
	v26 =	vshll.u32 v8, v3  }
0x47: {  	s29 =	sor.u32 s22, s23;
	v22 =	vld [tilespmem:s28+$0x1680];
	vm2 =	vlt.s32 v32, $0x0;
	vm3 =	vlt.s32 v25, $0x0;
	vm4 =	vlt.s32 v31, $0x0  }
0x48: {  	v61 =	vld [tilespmem:s29+$0x1780];
	vm6 =	vlt.s32 v30, $0x0;
	v25 =	vshll.u32 v2, v3;
	v31 =	vshll.u32 v11, v59  }
0x49: {  	v23 =	vld [tilespmem:s28+$0x1780];
	vm7 =	vlt.s32 v43, $0x0;
	v33 =	vnsel vm1, $0x0, v21;
	v28 =	vnsel vm2, $0x0, v28  }
0x4a: {  	v34 =	vld [tilespmem:s29+$0x1600];
	vm1 =	vlt.s32 v27, $0x0;
	vm5 =	vlt.s32 v26, $0x0;
	v27 =	vnsel vm4, $0x0, v24;
	[tilespmem:s28+$0x5500] =	vst v28  }
0x4b: {  	v38 =	vld [tilespmem:s29+$0x1700];
	v18 =	vnsel vm3, $0x0, v18;
	v24 =	vshll.u32 v1, v3;
	v3 =	vshll.u32 v0, v3;
	[tilespmem:s28+$0x5700] =	vst v33  }
0x4c: {  	v35 =	vld [tilespmem:s29+$0x1480];
	vm0 =	vmmov vm0;
	v26 =	vshll.u32 v17, v59;
	v21 =	vshll.u32 v14, v59;
	[tilespmem:s28+$0x5580] =	vst v27  }
0x4d: {  	v39 =	vld [tilespmem:s29+$0x1680];
	vm2 =	vlt.s32 v41, $0x0;
	vm4 =	vlt.s32 v60, $0x0;
	v19 =	vnsel vm1, $0x0, v19;
	[tilespmem:s28+$0x5600] =	vst v18  }
0x4e: {  	s30 =	sor.u32 s24, s24;
	v63 =	vnsel vm7, $0x0, v61;
	v30 =	vnsel vm5, $0x0, v22;
	v28 =	vld [tilespmem:s29+$0x1580];
	[tilespmem:s28+$0x5480] =	vst v19;
	v23 =	vnsel vm6, $0x0, v23  }
0x4f: {  	s8 =	simm.s32 $0x420;
	s2 =	simm.s32 $0x100;
	s0 =	simm.s32 $0x20;
	v22 =	vshll.u32 v16, v59;
	vm1 =	vlt.s32 v40, $0x0;
	v27 =	vld [tilespmem:s29+$0x1500];
	[tilespmem:s28+$0x5780] =	vst v23;
	v23 =	vshll.u32 v5, v59  }
0x50: {  	s9 =	sor.u32 $0x380, s30;
	s12 =	sand.u32 $0x70, s0;
	s13 =	sand.u32 $0x1C00, s2;
	v38 =	vnsel vm2, $0x0, v38;
	vm2 =	vlt.s32 v42, $0x0;
	[tilespmem:s28+$0x5680] =	vst v30;
	vm3 =	vlt.s32 v23, $0x0;
	v23 =	vld [tilespmem:s8+$0x0]  }
0x51: {  	s31 =	sor.u32 s12, s13;
	vm5 =	vlt.s32 v44, $0x0;
	v18 =	vshll.u32 v0, v59;
	v19 =	vshll.u32 v12, v59;
	v62 =	vld [tilespmem:s9+$0x1480]  }
0x52: {  	v47 =	vld [tilespmem:s31+$0x1600];
	v55 =	vnsel vm2, $0x0, v35;
	vm2 =	vmmov vm0;
	vm0 =	vmmov vm1  }
0x53: {  	v46 =	vld [tilespmem:s31+$0x1680];
	vm1 =	vlt.s32 v29, $0x0;
	vm6 =	vlt.s32 v45, $0x0;
	v45 =	vnsel vm4, $0x0, v34  }
0x54: {  	v48 =	vld [tilespmem:s31+$0x1580];
	v39 =	vnsel vm6, $0x0, v39;
	vm6 =	vlt.s32 v37, $0x0;
	v41 =	vnsel vm5, $0x0, v28  }
0x55: {  	v49 =	vld [tilespmem:s31+$0x1700];
	v28 =	vshll.u32 v2, v59;
	vm5 =	vlt.s32 v36, $0x0;
	v56 =	vnsel vm3, $0x0, v27  }
0x56: {  	v51 =	vld [tilespmem:s31+$0x1780];
	v27 =	vshll.u32 v1, v59;
	v33 =	vshll.u32 v11, v23;
	v40 =	vnsel vm1, $0x0, v62  }
0x57: {  	v35 =	vld [tilespmem:s31+$0x1480];
	v29 =	vshll.u32 v16, v23;
	v30 =	vshll.u32 v17, v23;
	v34 =	vshll.u32 v14, v23;
	[tilespmem:s9+$0x5480] =	vst v40  }
0x58: {  	[tilespmem:s29+$0x5780] =	vst v63;
	v50 =	vshll.u32 v15, v23;
	v32 =	vshll.u32 v12, v23;
	v57 =	vshll.u32 v7, v23;
	v52 =	vld [tilespmem:s28+$0x3780]  }
0x59: {  	[tilespmem:s29+$0x5700] =	vst v38;
	v58 =	vshll.u32 v9, v23;
	v59 =	vshll.u32 v4, v23;
	v53 =	vshll.u32 v10, v23;
	v54 =	vld [tilespmem:s28+$0x3700]  }
0x5a: {  	[tilespmem:s29+$0x5480] =	vst v55;
	v60 =	vshll.u32 v6, v23;
	v61 =	vshll.u32 v8, v23;
	v62 =	vshll.u32 v5, v23;
	v40 =	vld [tilespmem:s28+$0x3600]  }
0x5b: {  	[tilespmem:s29+$0x5600] =	vst v45;
	vm1 =	vlt.s32 v50, $0x0;
	vm3 =	vlt.s32 v58, $0x0;
	vm9 =	vlt.s32 v61, $0x0;
	v43 =	vld [tilespmem:s28+$0x3680]  }
0x5c: {  	[tilespmem:s29+$0x5680] =	vst v39;
	vm4 =	vlt.s32 v62, $0x0;
	vm7 =	vlt.s32 v57, $0x0;
	v37 =	vnsel vm9, $0x0, v46;
	v46 =	vld [tilespmem:s31+$0x1500]  }
0x5d: {  	[tilespmem:s29+$0x5580] =	vst v41;
	vm8 =	vlt.s32 v60, $0x0;
	vm10 =	vlt.s32 v53, $0x0;
	v36 =	vnsel vm3, $0x0, v49;
	v44 =	vld [tilespmem:s28+$0x3580]  }
0x5e: {  	s3 =	sor.u32 s3, s7;
	s14 =	simm.s32 $0x180;
	[tilespmem:s29+$0x5500] =	vst v56;
	vm3 =	vlt.s32 v59, $0x0;
	v42 =	vld [tilespmem:s28+$0x3500];
	v39 =	vnsel vm8, $0x0, v48;
	v63 =	vnsel vm6, $0x0, v52  }
0x5f: {  	s7 =	simm.s32 $0x430;
	s22 =	simm.s32 $0x30;
	s8 =	sor.u32 $0x380, s3;
	v45 =	vld [tilespmem:s28+$0x3480];
	v38 =	vnsel vm7, $0x0, v47;
	v41 =	vnsel vm10, $0x0, v51;
	v47 =	vnsel vm5, $0x0, v54;
	[tilespmem:s28+$0x7780] =	vst v63  }
.LBB2_5:
0x60: {  	s13 =	sand.u32 $0x70, s22  }
0x61: {  	s23 =	sand.u32 $0x1C00, s14;
	v35 =	vnsel vm3, $0x0, v35;
	v46 =	vnsel vm4, $0x0, v46;
	v48 =	vshll.u32 v2, v23;
	v49 =	vld [tilespmem:s8+$0x1480];
	[tilespmem:s28+$0x7700] =	vst v47;
	s12 =	smov.u32 s22;
	s9 =	sadd.s32 $0x10, s22  }
0x62: {  	p1 =	sne.s32 s22, $0x3F0;
	v50 =	vshll.u32 v1, v23;
	vm3 =	vlt.s32 v13, $0x0;
	v13 =	vmovc v21;
	v21 =	vmovc v34;
	v47 =	vld [tilespmem:s7+$0x0];
	s13 =	sor.u32 s13, s23;
	[tilespmem:s31+$0x5480] =	vst v35;
	v35 =	vnsel vm2, $0x0, v43  }
0x63: {  	vm2 =	vlt.s32 v20, $0x0;
	v51 =	vld [tilespmem:s13+$0x1600];
	v44 =	vnsel vm3, $0x0, v44;
	vm3 =	vlt.s32 v25, $0x0;
	[tilespmem:s28+$0x7680] =	vst v35;
	v25 =	vmovc v28;
	v28 =	vmovc v48  }
0x64: {  	vm4 =	vlt.s32 v24, $0x0;
	v24 =	vmovc v27;
	v27 =	vmovc v50;
	v35 =	vld [tilespmem:s13+$0x1480];
	v34 =	vnsel vm2, $0x0, v42;
	[tilespmem:s28+$0x7580] =	vst v44;
	v43 =	vnsel vm3, $0x0, v40  }
0x65: {  	v23 =	vshll.u32 v0, v23;
	v20 =	vmovc v19;
	v19 =	vmovc v32;
	vm2 =	vmmov vm0;
	v42 =	vld [tilespmem:s13+$0x1680];
	v40 =	vnsel vm4, $0x0, v45;
	[tilespmem:s28+$0x7600] =	vst v43  }
0x66: {  	vm3 =	vlt.s32 v3, $0x0;
	v3 =	vmovc v18;
	v18 =	vmov v23;
	vm0 =	vmmov vm1;
	v45 =	vld [tilespmem:s13+$0x1580];
	[tilespmem:s28+$0x7500] =	vst v34  }
0x67: {  	s22 =	sor.u32 $0x2380, s30;
	v43 =	vld [tilespmem:s13+$0x1700];
	v44 =	vshll.u32 v11, v47;
	v48 =	vshll.u32 v16, v47;
	v50 =	vshll.u32 v17, v47;
	[tilespmem:s28+$0x7480] =	vst v40;
	s28 =	smov.u32 s29;
	s29 =	smov.u32 s31  }
0x68: {  	s30 =	smov.u32 s3;
	vm4 =	vlt.s32 v31, $0x0;
	v34 =	vshll.u32 v14, v47;
	v40 =	vshll.u32 v15, v47;
	v23 =	vmovc v47;
	s31 =	smov.u32 s13;
	[tilespmem:s29+$0x5500] =	vst v46;
	v52 =	vld [tilespmem:s22+$0x1480]  }
0x69: {  	v31 =	vmovc v33;
	v32 =	vshll.u32 v12, v23;
	vm1 =	vlt.s32 v40, $0x0;
	v40 =	vnsel vm4, $0x0, v49;
	v33 =	vmovc v44;
	v47 =	vld [tilespmem:s31+$0x1780]  }
0x6a: {  	vm5 =	vlt.s32 v22, $0x0;
	v22 =	vmovc v29;
	v44 =	vshll.u32 v7, v23;
	v49 =	vshll.u32 v9, v23;
	v46 =	vld [tilespmem:s31+$0x1500];
	[tilespmem:s8+$0x5480] =	vst v40  }
0x6b: {  	vm6 =	vlt.s32 v26, $0x0;
	v53 =	vshll.u32 v4, v23;
	v54 =	vshll.u32 v10, v23;
	v29 =	vmovc v48;
	[tilespmem:s29+$0x5700] =	vst v36;
	v55 =	vld [tilespmem:s28+$0x3780]  }
0x6c: {  	v26 =	vmovc v30;
	v48 =	vshll.u32 v6, v23;
	v56 =	vshll.u32 v8, v23;
	vm4 =	vlt.s32 v49, $0x0;
	[tilespmem:s29+$0x5580] =	vst v39;
	v49 =	vld [tilespmem:s28+$0x3700]  }
.Ltmp3:
0x6d: {  	v30 =	vmovc v50;
	v39 =	vshll.u32 v5, v23;
	v36 =	vnsel vm4, $0x0, v43;
	[tilespmem:s29+$0x5780] =	vst v41;
	v40 =	vld [tilespmem:s28+$0x3600];
	v41 =	vnsel vm3, $0x0, v52;
	(pc) =	sbr.rel @p1 .LBB2_5-.Ltmp3, $4  }
0x6e: {  	vm7 =	vlt.s32 v44, $0x0;
	vm3 =	vlt.s32 v53, $0x0;
	vm4 =	vlt.s32 v39, $0x0;
	v43 =	vld [tilespmem:s28+$0x3680];
	[tilespmem:s22+$0x5480] =	vst v41  }
0x6f: {  	s3 =	sor.u32 s0, s2;
	vm8 =	vlt.s32 v48, $0x0;
	vm9 =	vlt.s32 v56, $0x0;
	vm10 =	vlt.s32 v54, $0x0;
	[tilespmem:s29+$0x5680] =	vst v37;
	v44 =	vld [tilespmem:s28+$0x3580]  }
0x70: {  	s2 =	smov.u32 s14;
	s14 =	sadd.s32 $0x80, s14;
	s0 =	smov.u32 s12;
	v39 =	vnsel vm8, $0x0, v45;
	v37 =	vnsel vm9, $0x0, v42;
	[tilespmem:s29+$0x5600] =	vst v38;
	v42 =	vld [tilespmem:s28+$0x3500];
	v48 =	vnsel vm6, $0x0, v55  }
0x71: {  	s7 =	sadd.s32 $0x10, s7;
	s8 =	sor.u32 $0x380, s3;
	v41 =	vnsel vm10, $0x0, v47;
	s22 =	smov.u32 s9;
	v38 =	vnsel vm7, $0x0, v51;
	v45 =	vld [tilespmem:s28+$0x3480];
	v47 =	vnsel vm5, $0x0, v49;
	[tilespmem:s28+$0x7780] =	vst v48  }
0x72: {  	[tilespmem:s31+$0x5700] =	vst v36  }
0x73: {  	[tilespmem:s31+$0x5580] =	vst v39  }
0x74: {  	v4 =	vld [tilespmem:s8+$0x1480];
	[tilespmem:s31+$0x5780] =	vst v41  }
0x75: {  	[tilespmem:s31+$0x5680] =	vst v37  }
0x76: {  	[tilespmem:s31+$0x5600] =	vst v38  }
0x77: {  	v5 =	vnsel vm3, $0x0, v35;
	[tilespmem:s28+$0x7700] =	vst v47  }
0x78: {  	v6 =	vnsel vm4, $0x0, v46;
	vm6 =	vlt.s32 v31, $0x0;
	s0 =	sor.u32 s0, s2;
	[tilespmem:s31+$0x5480] =	vst v5  }
0x79: {  	[tilespmem:s31+$0x5500] =	vst v6;
	s2 =	sor.u32 $0x380, s0;
	v4 =	vnsel vm6, $0x0, v4  }
0x7a: {  	vm8 =	vlt.s32 v25, $0x0;
	v39 =	vnsel vm2, $0x0, v43;
	v6 =	vld [tilespmem:s2+$0x1480];
	[tilespmem:s8+$0x5480] =	vst v4  }
0x7b: {  	vm7 =	vlt.s32 v13, $0x0;
	v43 =	vnsel vm8, $0x0, v40;
	[tilespmem:s28+$0x7680] =	vst v39;
	v4 =	vld [tilespmem:s29+$0x3780]  }
0x7c: {  	vm9 =	vlt.s32 v20, $0x0;
	v7 =	vnsel vm7, $0x0, v44;
	[tilespmem:s28+$0x7600] =	vst v43;
	v41 =	vld [tilespmem:s29+$0x3700]  }
0x7d: {  	vm10 =	vlt.s32 v24, $0x0;
	[tilespmem:s28+$0x7580] =	vst v7;
	v9 =	vnsel vm9, $0x0, v42;
	v44 =	vld [tilespmem:s29+$0x3680]  }
0x7e: {  	vm11 =	vlt.s32 v33, $0x0;
	v10 =	vnsel vm10, $0x0, v45;
	[tilespmem:s28+$0x7500] =	vst v9;
	v45 =	vld [tilespmem:s29+$0x3580]  }
0x7f: {  	vm12 =	vlt.s32 v26, $0x0;
	[tilespmem:s28+$0x7480] =	vst v10;
	v8 =	vld [tilespmem:s29+$0x3600];
	v6 =	vnsel vm11, $0x0, v6  }
0x80: {  	vm13 =	vlt.s32 v22, $0x0;
	v46 =	vld [tilespmem:s29+$0x3500];
	[tilespmem:s2+$0x5480] =	vst v6;
	v4 =	vnsel vm12, $0x0, v4  }
0x81: {  	vm0 =	vmmov vm0;
	v11 =	vld [tilespmem:s29+$0x3480];
	v5 =	vnsel vm13, $0x0, v41;
	[tilespmem:s29+$0x7780] =	vst v4  }
0x82: {  	vm14 =	vlt.s32 v21, $0x0;
	v47 =	vld [tilespmem:s31+$0x3780];
	v48 =	vnsel vm0, $0x0, v44;
	[tilespmem:s29+$0x7700] =	vst v5  }
0x83: {  	vm15 =	vlt.s32 v28, $0x0;
	v6 =	vld [tilespmem:s31+$0x3700];
	v49 =	vnsel vm14, $0x0, v45;
	[tilespmem:s29+$0x7680] =	vst v48  }
0x84: {  	vm4 =	vlt.s32 v19, $0x0;
	v52 =	vld [tilespmem:s31+$0x3680];
	v51 =	vnsel vm15, $0x0, v8;
	[tilespmem:s29+$0x7580] =	vst v49  }
0x85: {  	vm5 =	vlt.s32 v27, $0x0;
	v54 =	vld [tilespmem:s31+$0x3580];
	v53 =	vnsel vm4, $0x0, v46;
	[tilespmem:s29+$0x7600] =	vst v51  }
0x86: {  	vm6 =	vlt.s32 v30, $0x0;
	v50 =	vld [tilespmem:s31+$0x3600];
	v55 =	vnsel vm5, $0x0, v11;
	[tilespmem:s29+$0x7500] =	vst v53  }
0x87: {  	vm1 =	vmmov vm1;
	vm7 =	vlt.s32 v29, $0x0;
	v56 =	vld [tilespmem:s31+$0x3500];
	[tilespmem:s29+$0x7480] =	vst v55;
	v4 =	vnsel vm6, $0x0, v47  }
0x88: {  	vm8 =	vmmov vm1;
	v57 =	vld [tilespmem:s31+$0x3480];
	v6 =	vnsel vm7, $0x0, v6;
	[tilespmem:s31+$0x7780] =	vst v4  }
0x89: {  	v2 =	vshll.u32 v2, v23;
	vm9 =	vlt.s32 v34, $0x0;
	v58 =	vnsel vm8, $0x0, v52;
	[tilespmem:s31+$0x7700] =	vst v6  }
0x8a: {  	vm10 =	vlt.s32 v2, $0x0;
	v59 =	vnsel vm9, $0x0, v54;
	[tilespmem:s31+$0x7680] =	vst v58  }
0x8b: {  	v1 =	vshll.u32 v1, v23;
	vm11 =	vlt.s32 v32, $0x0;
	v2 =	vnsel vm10, $0x0, v50;
	[tilespmem:s31+$0x7580] =	vst v59  }
0x8c: {  	vm12 =	vlt.s32 v1, $0x0;
	s29 =	sor.u32 $0x2380, s30;
	v60 =	vnsel vm11, $0x0, v56;
	[tilespmem:s31+$0x7600] =	vst v2  }
0x8d: {  	s3 =	sor.u32 $0x2380, s3;
	v61 =	vld [tilespmem:s29+$0x1480];
	v62 =	vnsel vm12, $0x0, v57;
	[tilespmem:s31+$0x7500] =	vst v60  }
0x8e: {  	s0 =	sor.u32 $0x2380, s0;
	v63 =	vld [tilespmem:s3+$0x1480];
	[tilespmem:s31+$0x7480] =	vst v62  }
0x8f: {  	v4 =	vld [tilespmem:s0+$0x1480];
	_ =	sdelay $0x1  }
0x90: {  	p1 =	sne.s32 s25, $0x61;
	vm13 =	vlt.s32 v3, $0x0  }
.Ltmp4:
0x91: {  	v0 =	vshll.u32 v0, v23;
	vm14 =	vlt.s32 v18, $0x0;
	v2 =	vnsel vm13, $0x0, v61;
	(pc) =	sbr.rel @p1 .LBB2_8-.Ltmp4, $4  }
0x92: {  	vm15 =	vlt.s32 v0, $0x0;
	s30 =	sadd.s32 s6, s26;
	v1 =	vnsel vm14, $0x0, v63;
	[tilespmem:s29+$0x5480] =	vst v2  }
0x93: {  	s2 =	sshll.u32 s30, $0x7;
	[tilespmem:s3+$0x5480] =	vst v1;
	v0 =	vnsel vm15, $0x0, v4  }
0x94: {  	s31 =	sadd.s32 s4, s2;
	[tilespmem:s0+$0x5480] =	vst v0  }
0x95: {  	[hbm4b:s31+s5] =	stream.linear.scatter [tilespmem:s18], [sflag:$0x2], $0x4000, $0x38;
	[tilespmem:$0x11480] =	vst v63  }
.Ltmp5:
0x96: {  	(pc) =	sbr.rel .LBB2_9-.Ltmp5, $4  }
0x97: {  	_ = 	snop  }
0x98: {  	_ =	swait.ge [sflag:s19], $0x4000  }
0x99: {  	[sflag:s19] =	ssyncset.done $0x0  }
0x9a: {  	[sflag:s19] =	ssyncadd.s32 $0xFFFFC000  }
.LBB2_8:
0x9b: {  	s0 =	sadd.s32 s26, s10  }
0x9c: {  	s0 =	sshll.u32 s0, $0x7  }
.Ltmp6:
0x9d: {  	s2 =	simm.s32 $0x1480;
	s0 =	sadd.s32 s1, s0;
	(pc) =	sbr.rel @p0 .LBB2_10-.Ltmp6, $4  }
0x9e: {  	[tilespmem:s2], [sflag:$0x1] =	stream.linear.gather [hbm4b:s0+s5], $0x4000, $0x38;
	[tilespmem:$0x11480] =	vst v63  }
0x9f: {  	_ =	swait.ge [sflag:s19], $0x4000  }
0xa0: {  	[sflag:s19] =	ssyncset.done $0x0  }
0xa1: {  	[sflag:s19] =	ssyncadd.s32 $0xFFFFC000  }
.LBB2_9:
0xa2: {  	_ =	swait.ge [sflag:s20], $0x4000  }
0xa3: {  	[sflag:s20] =	ssyncset.done $0x0  }
0xa4: {  	[sflag:s20] =	ssyncadd.s32 $0xFFFFC000  }
.LBB2_10:
0xa5: {  	v0 =	vld [tilespmem:s26+$0x810];
	_ =	sdelay $0x4  }
0xa6: {  	v4 =	vbroadcast v0, $0x0;
	v5 =	vbroadcast v0, $0x1  }
0xa7: {  	s0 =	simm.s32 $0x400;
	v6 =	vbroadcast v0, $0x2;
	v7 =	vbroadcast v0, $0x3  }
0xa8: {  	v3 =	vld [tilespmem:s0+$0x0];
	v8 =	vbroadcast v0, $0x4;
	v9 =	vbroadcast v0, $0x5  }
0xa9: {  	v10 =	vbroadcast v0, $0x6;
	v11 =	vbroadcast v0, $0x7  }
0xaa: {  	v1 =	vbroadcast v0, $0x8;
	v12 =	vbroadcast v0, $0x9  }
0xab: {  	s14 =	simm.s32 $0x410;
	v14 =	vbroadcast v0, $0xA;
	v15 =	vbroadcast v0, $0xC  }
0xac: {  	v59 =	vld [tilespmem:s14+$0x0];
	v16 =	vbroadcast v0, $0xD;
	v17 =	vbroadcast v0, $0xE  }
0xad: {  	s2 =	simm.s32 $0x0;
	v2 =	vbroadcast v0, $0xB;
	v0 =	vbroadcast v0, $0xF;
	v29 =	vshll.u32 v11, v3  }
0xae: {  	s13 =	sand.u32 $0x70, s2;
	s3 =	sand.u32 $0x1C00, s2;
	v36 =	vshll.u32 v16, v3;
	v37 =	vshll.u32 v17, v3;
	v23 =	vshll.u32 v15, v3  }
0xaf: {  	s28 =	sor.u32 s13, s3;
	v13 =	vshll.u32 v14, v3;
	v20 =	vshll.u32 v12, v3;
	v25 =	vshll.u32 v7, v3  }
0xb0: {  	v18 =	vld [tilespmem:s28+$0x9600];
	v26 =	vshll.u32 v9, v3;
	v27 =	vshll.u32 v4, v3;
	v30 =	vshll.u32 v10, v3  }
0xb1: {  	v21 =	vld [tilespmem:s28+$0x9700];
	v31 =	vshll.u32 v6, v3;
	v32 =	vshll.u32 v5, v3;
	v40 =	vshll.u32 v15, v59  }
0xb2: {  	v28 =	vld [tilespmem:s28+$0x9500];
	v60 =	vshll.u32 v7, v59;
	v41 =	vshll.u32 v9, v59;
	v42 =	vshll.u32 v4, v59  }
0xb3: {  	s7 =	simm.s32 $0x10;
	s9 =	simm.s32 $0x80;
	v24 =	vld [tilespmem:s28+$0x9580];
	v43 =	vshll.u32 v10, v59;
	v44 =	vshll.u32 v6, v59;
	v45 =	vshll.u32 v8, v59  }
0xb4: {  	s15 =	sand.u32 $0x70, s7;
	s22 =	sand.u32 $0x1C00, s9;
	v19 =	vld [tilespmem:s28+$0x9480];
	vm0 =	vlt.s32 v23, $0x0;
	vm1 =	vlt.s32 v26, $0x0;
	v26 =	vshll.u32 v8, v3  }
0xb5: {  	s29 =	sor.u32 s15, s22;
	v22 =	vld [tilespmem:s28+$0x9680];
	vm2 =	vlt.s32 v32, $0x0;
	vm3 =	vlt.s32 v25, $0x0;
	vm4 =	vlt.s32 v31, $0x0  }
0xb6: {  	v61 =	vld [tilespmem:s29+$0x9780];
	vm6 =	vlt.s32 v30, $0x0;
	v25 =	vshll.u32 v2, v3;
	v31 =	vshll.u32 v11, v59  }
0xb7: {  	v23 =	vld [tilespmem:s28+$0x9780];
	vm7 =	vlt.s32 v43, $0x0;
	v33 =	vnsel vm1, $0x0, v21;
	v28 =	vnsel vm2, $0x0, v28  }
0xb8: {  	v34 =	vld [tilespmem:s29+$0x9600];
	vm1 =	vlt.s32 v27, $0x0;
	vm5 =	vlt.s32 v26, $0x0;
	v27 =	vnsel vm4, $0x0, v24;
	[tilespmem:s28+$0xD500] =	vst v28  }
0xb9: {  	v38 =	vld [tilespmem:s29+$0x9700];
	v18 =	vnsel vm3, $0x0, v18;
	v24 =	vshll.u32 v1, v3;
	v3 =	vshll.u32 v0, v3;
	[tilespmem:s28+$0xD700] =	vst v33  }
0xba: {  	v35 =	vld [tilespmem:s29+$0x9480];
	vm0 =	vmmov vm0;
	v26 =	vshll.u32 v17, v59;
	v21 =	vshll.u32 v14, v59;
	[tilespmem:s28+$0xD580] =	vst v27  }
0xbb: {  	v39 =	vld [tilespmem:s29+$0x9680];
	vm2 =	vlt.s32 v41, $0x0;
	vm4 =	vlt.s32 v60, $0x0;
	v19 =	vnsel vm1, $0x0, v19;
	[tilespmem:s28+$0xD600] =	vst v18  }
0xbc: {  	s23 =	simm.s32 $0x420;
	v63 =	vnsel vm7, $0x0, v61;
	v30 =	vnsel vm5, $0x0, v22;
	v28 =	vld [tilespmem:s29+$0x9580];
	[tilespmem:s28+$0xD480] =	vst v19;
	v23 =	vnsel vm6, $0x0, v23  }
0xbd: {  	s0 =	simm.s32 $0x20;
	s30 =	sor.u32 s2, s2;
	s3 =	simm.s32 $0x100;
	v22 =	vshll.u32 v16, v59;
	vm1 =	vlt.s32 v40, $0x0;
	v27 =	vld [tilespmem:s29+$0x9500];
	[tilespmem:s28+$0xD780] =	vst v23;
	v23 =	vshll.u32 v5, v59  }
0xbe: {  	s8 =	sor.u32 $0x380, s30;
	s12 =	sand.u32 $0x70, s0;
	s13 =	sand.u32 $0x1C00, s3;
	v38 =	vnsel vm2, $0x0, v38;
	vm2 =	vlt.s32 v42, $0x0;
	[tilespmem:s28+$0xD680] =	vst v30;
	vm3 =	vlt.s32 v23, $0x0;
	v23 =	vld [tilespmem:s23+$0x0]  }
0xbf: {  	s31 =	sor.u32 s12, s13;
	vm5 =	vlt.s32 v44, $0x0;
	v18 =	vshll.u32 v0, v59;
	v19 =	vshll.u32 v12, v59;
	v62 =	vld [tilespmem:s8+$0x9480]  }
0xc0: {  	v47 =	vld [tilespmem:s31+$0x9600];
	v55 =	vnsel vm2, $0x0, v35;
	vm2 =	vmmov vm0;
	vm0 =	vmmov vm1  }
0xc1: {  	v46 =	vld [tilespmem:s31+$0x9680];
	vm1 =	vlt.s32 v29, $0x0;
	vm6 =	vlt.s32 v45, $0x0;
	v45 =	vnsel vm4, $0x0, v34  }
0xc2: {  	v48 =	vld [tilespmem:s31+$0x9580];
	v39 =	vnsel vm6, $0x0, v39;
	vm6 =	vlt.s32 v37, $0x0;
	v41 =	vnsel vm5, $0x0, v28  }
0xc3: {  	v49 =	vld [tilespmem:s31+$0x9700];
	v28 =	vshll.u32 v2, v59;
	vm5 =	vlt.s32 v36, $0x0;
	v56 =	vnsel vm3, $0x0, v27  }
0xc4: {  	v51 =	vld [tilespmem:s31+$0x9780];
	v27 =	vshll.u32 v1, v59;
	v33 =	vshll.u32 v11, v23;
	v40 =	vnsel vm1, $0x0, v62  }
0xc5: {  	v35 =	vld [tilespmem:s31+$0x9480];
	v29 =	vshll.u32 v16, v23;
	v30 =	vshll.u32 v17, v23;
	v34 =	vshll.u32 v14, v23;
	[tilespmem:s8+$0xD480] =	vst v40  }
0xc6: {  	[tilespmem:s29+$0xD780] =	vst v63;
	v50 =	vshll.u32 v15, v23;
	v32 =	vshll.u32 v12, v23;
	v57 =	vshll.u32 v7, v23;
	v52 =	vld [tilespmem:s28+$0xB780]  }
0xc7: {  	[tilespmem:s29+$0xD700] =	vst v38;
	v58 =	vshll.u32 v9, v23;
	v59 =	vshll.u32 v4, v23;
	v53 =	vshll.u32 v10, v23;
	v54 =	vld [tilespmem:s28+$0xB700]  }
0xc8: {  	[tilespmem:s29+$0xD480] =	vst v55;
	v60 =	vshll.u32 v6, v23;
	v61 =	vshll.u32 v8, v23;
	v62 =	vshll.u32 v5, v23;
	v40 =	vld [tilespmem:s28+$0xB600]  }
0xc9: {  	[tilespmem:s29+$0xD600] =	vst v45;
	vm1 =	vlt.s32 v50, $0x0;
	vm3 =	vlt.s32 v58, $0x0;
	vm9 =	vlt.s32 v61, $0x0;
	v43 =	vld [tilespmem:s28+$0xB680]  }
0xca: {  	[tilespmem:s29+$0xD680] =	vst v39;
	vm4 =	vlt.s32 v62, $0x0;
	vm7 =	vlt.s32 v57, $0x0;
	v37 =	vnsel vm9, $0x0, v46;
	v46 =	vld [tilespmem:s31+$0x9500]  }
0xcb: {  	[tilespmem:s29+$0xD580] =	vst v41;
	vm8 =	vlt.s32 v60, $0x0;
	vm10 =	vlt.s32 v53, $0x0;
	v36 =	vnsel vm3, $0x0, v49;
	v44 =	vld [tilespmem:s28+$0xB580]  }
0xcc: {  	s2 =	sor.u32 $0x10, s26;
	s14 =	sor.u32 s7, s9;
	s7 =	simm.s32 $0x180;
	[tilespmem:s29+$0xD500] =	vst v56;
	vm3 =	vlt.s32 v59, $0x0;
	v42 =	vld [tilespmem:s28+$0xB500];
	v39 =	vnsel vm8, $0x0, v48;
	v63 =	vnsel vm6, $0x0, v52  }
0xcd: {  	s9 =	simm.s32 $0x430;
	s22 =	sor.u32 $0x380, s14;
	s12 =	simm.s32 $0x30;
	v45 =	vld [tilespmem:s28+$0xB480];
	v38 =	vnsel vm7, $0x0, v47;
	v41 =	vnsel vm10, $0x0, v51;
	v47 =	vnsel vm5, $0x0, v54;
	[tilespmem:s28+$0xF780] =	vst v63  }
.LBB2_11:
0xce: {  	s23 =	sand.u32 $0x70, s12  }
0xcf: {  	s15 =	sand.u32 $0x1C00, s7;
	v35 =	vnsel vm3, $0x0, v35;
	v46 =	vnsel vm4, $0x0, v46;
	v48 =	vshll.u32 v2, v23;
	v49 =	vld [tilespmem:s22+$0x9480];
	[tilespmem:s28+$0xF700] =	vst v47;
	s8 =	smov.u32 s12;
	s13 =	sadd.s32 $0x10, s12  }
0xd0: {  	p0 =	sne.s32 s12, $0x3F0;
	v50 =	vshll.u32 v1, v23;
	vm3 =	vlt.s32 v13, $0x0;
	v13 =	vmovc v21;
	v21 =	vmovc v34;
	v47 =	vld [tilespmem:s9+$0x0];
	s15 =	sor.u32 s23, s15;
	[tilespmem:s31+$0xD480] =	vst v35;
	v35 =	vnsel vm2, $0x0, v43  }
0xd1: {  	vm2 =	vlt.s32 v20, $0x0;
	v51 =	vld [tilespmem:s15+$0x9600];
	v44 =	vnsel vm3, $0x0, v44;
	vm3 =	vlt.s32 v25, $0x0;
	[tilespmem:s28+$0xF680] =	vst v35;
	v25 =	vmovc v28;
	v28 =	vmovc v48  }
0xd2: {  	vm4 =	vlt.s32 v24, $0x0;
	v24 =	vmovc v27;
	v27 =	vmovc v50;
	v35 =	vld [tilespmem:s15+$0x9480];
	v34 =	vnsel vm2, $0x0, v42;
	[tilespmem:s28+$0xF580] =	vst v44;
	v43 =	vnsel vm3, $0x0, v40  }
0xd3: {  	v23 =	vshll.u32 v0, v23;
	v20 =	vmovc v19;
	v19 =	vmovc v32;
	vm2 =	vmmov vm0;
	v42 =	vld [tilespmem:s15+$0x9680];
	v40 =	vnsel vm4, $0x0, v45;
	[tilespmem:s28+$0xF600] =	vst v43  }
0xd4: {  	vm3 =	vlt.s32 v3, $0x0;
	v3 =	vmovc v18;
	v18 =	vmov v23;
	vm0 =	vmmov vm1;
	v45 =	vld [tilespmem:s15+$0x9580];
	[tilespmem:s28+$0xF500] =	vst v34  }
0xd5: {  	s12 =	sor.u32 $0x2380, s30;
	v43 =	vld [tilespmem:s15+$0x9700];
	v44 =	vshll.u32 v11, v47;
	v48 =	vshll.u32 v16, v47;
	v50 =	vshll.u32 v17, v47;
	[tilespmem:s28+$0xF480] =	vst v40;
	s28 =	smov.u32 s29;
	s29 =	smov.u32 s31  }
0xd6: {  	s30 =	smov.u32 s14;
	vm4 =	vlt.s32 v31, $0x0;
	v34 =	vshll.u32 v14, v47;
	v40 =	vshll.u32 v15, v47;
	v23 =	vmovc v47;
	s31 =	smov.u32 s15;
	[tilespmem:s29+$0xD500] =	vst v46;
	v52 =	vld [tilespmem:s12+$0x9480]  }
0xd7: {  	v31 =	vmovc v33;
	v32 =	vshll.u32 v12, v23;
	vm1 =	vlt.s32 v40, $0x0;
	v40 =	vnsel vm4, $0x0, v49;
	v33 =	vmovc v44;
	v47 =	vld [tilespmem:s31+$0x9780]  }
0xd8: {  	vm5 =	vlt.s32 v22, $0x0;
	v22 =	vmovc v29;
	v44 =	vshll.u32 v7, v23;
	v49 =	vshll.u32 v9, v23;
	v46 =	vld [tilespmem:s31+$0x9500];
	[tilespmem:s22+$0xD480] =	vst v40  }
0xd9: {  	vm6 =	vlt.s32 v26, $0x0;
	v53 =	vshll.u32 v4, v23;
	v54 =	vshll.u32 v10, v23;
	v29 =	vmovc v48;
	[tilespmem:s29+$0xD700] =	vst v36;
	v55 =	vld [tilespmem:s28+$0xB780]  }
0xda: {  	v26 =	vmovc v30;
	v48 =	vshll.u32 v6, v23;
	v56 =	vshll.u32 v8, v23;
	vm4 =	vlt.s32 v49, $0x0;
	[tilespmem:s29+$0xD580] =	vst v39;
	v49 =	vld [tilespmem:s28+$0xB700]  }
.Ltmp7:
0xdb: {  	v30 =	vmovc v50;
	v39 =	vshll.u32 v5, v23;
	v36 =	vnsel vm4, $0x0, v43;
	[tilespmem:s29+$0xD780] =	vst v41;
	v40 =	vld [tilespmem:s28+$0xB600];
	v41 =	vnsel vm3, $0x0, v52;
	(pc) =	sbr.rel @p0 .LBB2_11-.Ltmp7, $4  }
0xdc: {  	vm7 =	vlt.s32 v44, $0x0;
	vm3 =	vlt.s32 v53, $0x0;
	vm4 =	vlt.s32 v39, $0x0;
	v43 =	vld [tilespmem:s28+$0xB680];
	[tilespmem:s12+$0xD480] =	vst v41  }
0xdd: {  	s14 =	sor.u32 s0, s3;
	vm8 =	vlt.s32 v48, $0x0;
	vm9 =	vlt.s32 v56, $0x0;
	vm10 =	vlt.s32 v54, $0x0;
	[tilespmem:s29+$0xD680] =	vst v37;
	v44 =	vld [tilespmem:s28+$0xB580]  }
0xde: {  	s3 =	smov.u32 s7;
	s7 =	sadd.s32 $0x80, s7;
	s0 =	smov.u32 s8;
	v39 =	vnsel vm8, $0x0, v45;
	v37 =	vnsel vm9, $0x0, v42;
	[tilespmem:s29+$0xD600] =	vst v38;
	v42 =	vld [tilespmem:s28+$0xB500];
	v48 =	vnsel vm6, $0x0, v55  }
0xdf: {  	s9 =	sadd.s32 $0x10, s9;
	s22 =	sor.u32 $0x380, s14;
	v41 =	vnsel vm10, $0x0, v47;
	s12 =	smov.u32 s13;
	v38 =	vnsel vm7, $0x0, v51;
	v45 =	vld [tilespmem:s28+$0xB480];
	v47 =	vnsel vm5, $0x0, v49;
	[tilespmem:s28+$0xF780] =	vst v48  }
0xe0: {  	[tilespmem:s31+$0xD700] =	vst v36  }
0xe1: {  	[tilespmem:s31+$0xD580] =	vst v39  }
0xe2: {  	v4 =	vld [tilespmem:s22+$0x9480];
	[tilespmem:s31+$0xD780] =	vst v41  }
0xe3: {  	[tilespmem:s31+$0xD680] =	vst v37  }
0xe4: {  	[tilespmem:s31+$0xD600] =	vst v38  }
0xe5: {  	v5 =	vnsel vm3, $0x0, v35;
	[tilespmem:s28+$0xF700] =	vst v47  }
0xe6: {  	v6 =	vnsel vm4, $0x0, v46;
	vm6 =	vlt.s32 v31, $0x0;
	s0 =	sor.u32 s0, s3;
	[tilespmem:s31+$0xD480] =	vst v5  }
0xe7: {  	[tilespmem:s31+$0xD500] =	vst v6;
	s3 =	sor.u32 $0x380, s0;
	v4 =	vnsel vm6, $0x0, v4  }
0xe8: {  	vm8 =	vlt.s32 v25, $0x0;
	v39 =	vnsel vm2, $0x0, v43;
	v6 =	vld [tilespmem:s3+$0x9480];
	[tilespmem:s22+$0xD480] =	vst v4  }
0xe9: {  	vm7 =	vlt.s32 v13, $0x0;
	v43 =	vnsel vm8, $0x0, v40;
	[tilespmem:s28+$0xF680] =	vst v39;
	v4 =	vld [tilespmem:s29+$0xB780]  }
0xea: {  	vm9 =	vlt.s32 v20, $0x0;
	v7 =	vnsel vm7, $0x0, v44;
	[tilespmem:s28+$0xF600] =	vst v43;
	v41 =	vld [tilespmem:s29+$0xB700]  }
0xeb: {  	vm10 =	vlt.s32 v24, $0x0;
	[tilespmem:s28+$0xF580] =	vst v7;
	v9 =	vnsel vm9, $0x0, v42;
	v44 =	vld [tilespmem:s29+$0xB680]  }
0xec: {  	vm11 =	vlt.s32 v33, $0x0;
	v10 =	vnsel vm10, $0x0, v45;
	[tilespmem:s28+$0xF500] =	vst v9;
	v45 =	vld [tilespmem:s29+$0xB580]  }
0xed: {  	vm12 =	vlt.s32 v26, $0x0;
	[tilespmem:s28+$0xF480] =	vst v10;
	v8 =	vld [tilespmem:s29+$0xB600];
	v6 =	vnsel vm11, $0x0, v6  }
0xee: {  	vm13 =	vlt.s32 v22, $0x0;
	v46 =	vld [tilespmem:s29+$0xB500];
	[tilespmem:s3+$0xD480] =	vst v6;
	v4 =	vnsel vm12, $0x0, v4  }
0xef: {  	vm0 =	vmmov vm0;
	v11 =	vld [tilespmem:s29+$0xB480];
	v5 =	vnsel vm13, $0x0, v41;
	[tilespmem:s29+$0xF780] =	vst v4  }
0xf0: {  	vm14 =	vlt.s32 v21, $0x0;
	v47 =	vld [tilespmem:s31+$0xB780];
	v48 =	vnsel vm0, $0x0, v44;
	[tilespmem:s29+$0xF700] =	vst v5  }
0xf1: {  	vm15 =	vlt.s32 v28, $0x0;
	v6 =	vld [tilespmem:s31+$0xB700];
	v49 =	vnsel vm14, $0x0, v45;
	[tilespmem:s29+$0xF680] =	vst v48  }
0xf2: {  	vm4 =	vlt.s32 v19, $0x0;
	v52 =	vld [tilespmem:s31+$0xB680];
	v51 =	vnsel vm15, $0x0, v8;
	[tilespmem:s29+$0xF580] =	vst v49  }
0xf3: {  	vm5 =	vlt.s32 v27, $0x0;
	v54 =	vld [tilespmem:s31+$0xB580];
	v53 =	vnsel vm4, $0x0, v46;
	[tilespmem:s29+$0xF600] =	vst v51  }
0xf4: {  	vm6 =	vlt.s32 v30, $0x0;
	v50 =	vld [tilespmem:s31+$0xB600];
	v55 =	vnsel vm5, $0x0, v11;
	[tilespmem:s29+$0xF500] =	vst v53  }
0xf5: {  	vm1 =	vmmov vm1;
	vm7 =	vlt.s32 v29, $0x0;
	v56 =	vld [tilespmem:s31+$0xB500];
	[tilespmem:s29+$0xF480] =	vst v55;
	v4 =	vnsel vm6, $0x0, v47  }
0xf6: {  	vm8 =	vmmov vm1;
	v57 =	vld [tilespmem:s31+$0xB480];
	v6 =	vnsel vm7, $0x0, v6;
	[tilespmem:s31+$0xF780] =	vst v4  }
0xf7: {  	v2 =	vshll.u32 v2, v23;
	vm9 =	vlt.s32 v34, $0x0;
	v58 =	vnsel vm8, $0x0, v52;
	[tilespmem:s31+$0xF700] =	vst v6  }
0xf8: {  	vm10 =	vlt.s32 v2, $0x0;
	v59 =	vnsel vm9, $0x0, v54;
	[tilespmem:s31+$0xF680] =	vst v58  }
0xf9: {  	v1 =	vshll.u32 v1, v23;
	vm11 =	vlt.s32 v32, $0x0;
	v2 =	vnsel vm10, $0x0, v50;
	[tilespmem:s31+$0xF580] =	vst v59  }
0xfa: {  	s30 =	sor.u32 $0x2380, s30;
	vm12 =	vlt.s32 v1, $0x0;
	v60 =	vnsel vm11, $0x0, v56;
	[tilespmem:s31+$0xF600] =	vst v2  }
0xfb: {  	s7 =	sor.u32 $0x2380, s14;
	v61 =	vld [tilespmem:s30+$0x9480];
	v62 =	vnsel vm12, $0x0, v57;
	[tilespmem:s31+$0xF500] =	vst v60  }
0xfc: {  	s0 =	sor.u32 $0x2380, s0;
	v63 =	vld [tilespmem:s7+$0x9480];
	[tilespmem:s31+$0xF480] =	vst v62  }
0xfd: {  	v4 =	vld [tilespmem:s0+$0x9480];
	_ =	sdelay $0x1  }
0xfe: {  	p0 =	seq.s32 s25, $0x61;
	vm13 =	vlt.s32 v3, $0x0  }
.Ltmp8:
0xff: {  	v0 =	vshll.u32 v0, v23;
	vm14 =	vlt.s32 v18, $0x0;
	v2 =	vnsel vm13, $0x0, v61;
	(pc) =	sbr.rel @p0 .LBB2_14-.Ltmp8, $4  }
0x100: {  	s2 =	sadd.s32 s6, s2;
	vm15 =	vlt.s32 v0, $0x0;
	[tilespmem:s30+$0xD480] =	vst v2;
	v1 =	vnsel vm14, $0x0, v63  }
0x101: {  	s2 =	sshll.u32 s2, $0x7;
	[tilespmem:s7+$0xD480] =	vst v1;
	v0 =	vnsel vm15, $0x0, v4  }
0x102: {  	s31 =	sadd.s32 s4, s2;
	[tilespmem:s0+$0xD480] =	vst v0  }
0x103: {  	[hbm4b:s31+s5] =	stream.linear.scatter [tilespmem:s21], [sflag:$0x4], $0x4000, $0x38;
	[tilespmem:$0x11480] =	vst v63  }
.Ltmp9:
0x104: {  	(pc) =	sbr.rel .LBB2_4-.Ltmp9, $4  }
0x105: {  	s0 =	sadd.s32 s26, s11  }
0x106: {  	s0 =	sshll.u32 s0, $0x7  }
0x107: {  	s25 =	sadd.s32 $0x1, s25;
	s0 =	sadd.s32 s1, s0  }
0x108: {  	[tilespmem:s16], [sflag:$0x3] =	stream.linear.gather [hbm4b:s0+s5], $0x4000, $0x38;
	[tilespmem:$0x11480] =	vst v63  }
.LBB2_15:
0x109: {  	_ =	sfence.sel $0x180000  }
0x10a: {  	[bflag:$0x0] =	sbarrier.arrive $0xFFFF  }
0x10b: {  	_ =	strace $0x90000047  }
0x10c: {  	s0 =	stileid.u32;
	[bflag:$0x2] =	sbarrier.arrive $0xFFFF  }
0x10d: {  	p0 =	sne.s32 s0, $0x0;
	s0 =	rddreg [dreg:$0x4]  }
0x10e: {  	s0 =	sadd.s32 @!p0 $0x100000, s0  }
0x10f: {  	[sflag:s0] =	ssyncadd.tile.s32 @!p0 $0x1;
	_ =	shalt  }
.Lfunc_end2:
_tile_overlayer_lowered:
.L_overlay_start_2:
0x110: {  	(tag) =	ssettag $0x2  }
0x111: {  	s0 =	rddreg [dreg:$0x0];
	s2 =	stileid.u32  }
0x112: {  	s1 =	rddreg [dreg:$0x1];
	p0 =	sne.s32 s2, $0x0  }
0x113: {  	s3 =	rddreg [dreg:$0x2];
	[bflag:$0x3] =	sbarrier.arrive $0xFFFF;
	s2 =	simm.s32 @!p0 $0x1C05  }
0x114: {  	[timem:s3], [sflag:s2] =	dma.local @!p0 [hbm:s0], s1  }
0x115: {  	s0 =	simm.s32 @!p0 $0x5  }
0x116: {  	_ =	swait.ge @!p0 [sflag:s0], s1  }
0x117: {  	s1 =	ssub.s32 @!p0 $0x0, s1;
	[sflag:s0] =	ssyncset.done @!p0 $0x0  }
0x118: {  	[sflag:s0] =	ssyncadd.s32 @!p0 s1  }
0x119: {  	[bflag:$0x3] =	sbarrier.arrive $0xFFFF  }
0x11a: {  	_ =	shalt  }

</sc_bundles>
